<compile_context>
chip_gen: v7x
topology: tpu7x:2x2x1
jax: 0.10.2.dev20260603
libtpu: 0.0.44.dev20260713+nightly
codegen_flags: <defaults>
</compile_context>

<pallas_src>
import functools

import jax
import jax.numpy as jnp
from jax import lax
from jax.experimental import pallas as pl
from jax.experimental.pallas import tpu as pltpu
from jax.experimental.pallas import tpu_sc as plsc

N = 10000
E = 320000
D = 128
H = 128
C = 64

NC = 2
NS = 16
NW = NC * NS

CHUNK = 128
CPW = 80
HPW = 40
EPAD = NW * CPW * CHUNK
NPAD = 10240
RPT = NPAD // NS


def _seg_body(src_hbm, dst_hbm, x_hbm, zs_hbm, zc_hbm, ones_hbm,
              osum_hbm, ocnt0_hbm, ocnt1_hbm,
              acc_sum, acc_cnt, src_v, dst_v, rows0_v, rows1_v, ones_v,
              sem0, sem1, semc):
    cid = lax.axis_index("c")
    sid = lax.axis_index("s")
    w = sid * NC + cid

    czs = pltpu.async_copy(zs_hbm, acc_sum.at[pl.ds(sid * RPT, RPT)], sem0)
    czc = pltpu.async_copy(zc_hbm, acc_cnt.at[pl.ds(sid * RPT, RPT)], sem1)
    pltpu.sync_copy(ones_hbm, ones_v)
    czs.wait()
    czc.wait()
    plsc.subcore_barrier()

    for h in range(2):
        pltpu.sync_copy(src_hbm.at[pl.ds(w * CPW + h * HPW, HPW)], src_v)
        pltpu.sync_copy(dst_hbm.at[pl.ds(w * CPW + h * HPW, HPW)], dst_v)
        pltpu.async_copy(x_hbm.at[src_v.at[0]], rows0_v, sem0)

        @pl.loop(0, HPW, step=2)
        def _(j0):
            j1 = j0 + 1
            pltpu.async_copy(x_hbm.at[src_v.at[j1]], rows1_v, sem1)
            pltpu.make_async_copy(x_hbm.at[src_v.at[j0]], rows0_v, sem0).wait()
            pltpu.sync_copy(rows0_v, acc_sum.at[dst_v.at[j0]], add=True)
            pltpu.async_copy(ones_v, acc_cnt.at[dst_v.at[j0]], semc, add=True)

            @pl.when(j0 + 2 < HPW)
            def _():
                pltpu.async_copy(x_hbm.at[src_v.at[j0 + 2]], rows0_v, sem0)

            pltpu.make_async_copy(x_hbm.at[src_v.at[j1]], rows1_v, sem1).wait()
            pltpu.sync_copy(rows1_v, acc_sum.at[dst_v.at[j1]], add=True)
            pltpu.async_copy(ones_v, acc_cnt.at[dst_v.at[j1]], semc, add=True)

        @pl.loop(0, HPW)
        def _(j):
            pltpu.make_async_copy(ones_v, acc_cnt.at[dst_v.at[0]], semc).wait()

    plsc.subcore_barrier()
    co = pltpu.async_copy(acc_sum.at[pl.ds(sid * RPT, RPT)],
                          osum_hbm.at[cid, pl.ds(sid * RPT, RPT)], sem0)

    @pl.when(cid == 0)
    def _():
        pltpu.sync_copy(acc_cnt.at[pl.ds(sid * RPT, RPT)],
                        ocnt0_hbm.at[pl.ds(sid * RPT, RPT)])

    @pl.when(cid == 1)
    def _():
        pltpu.sync_copy(acc_cnt.at[pl.ds(sid * RPT, RPT)],
                        ocnt1_hbm.at[pl.ds(sid * RPT, RPT)])
    co.wait()


@functools.cache
def _make_seg_call():
    return pl.kernel(
        _seg_body,
        out_type=[
            jax.ShapeDtypeStruct((NC, NPAD, D), jnp.float32),
            jax.ShapeDtypeStruct((NPAD,), jnp.float32),
            jax.ShapeDtypeStruct((NPAD,), jnp.float32),
        ],
        mesh=plsc.VectorSubcoreMesh(core_axis_name="c", subcore_axis_name="s",
                                    num_cores=NC, num_subcores=NS),
        scratch_types=[
            pltpu.VMEM_SHARED((NPAD, D), jnp.float32),
            pltpu.VMEM_SHARED((NPAD,), jnp.float32),
            pltpu.VMEM((HPW, CHUNK), jnp.int32),
            pltpu.VMEM((HPW, CHUNK), jnp.int32),
            pltpu.VMEM((CHUNK, D), jnp.float32),
            pltpu.VMEM((CHUNK, D), jnp.float32),
            pltpu.VMEM((CHUNK,), jnp.float32),
            pltpu.SemaphoreType.DMA,
            pltpu.SemaphoreType.DMA,
            pltpu.SemaphoreType.DMA,
        ],
    )


BLK = 1000
NBLK = N // BLK


def _mmT(a, b):
    return lax.dot_general(a, b, (((1,), (1,)), ((), ())),
                           preferred_element_type=jnp.float32)


def _head_body(x_ref, ps_ref, pc0_ref, pc1_ref, wl_ref, bl_ref, wr_ref,
               w1_ref, b1_ref, w2_ref, b2_ref, o_ref, acc_ref):
    i = pl.program_id(0)

    @pl.when(i == 0)
    def _():
        acc_ref[...] = jnp.zeros_like(acc_ref)

    s = ps_ref[0] + ps_ref[1]
    cnt = pc0_ref[...] + pc1_ref[...]
    mean = s / jnp.maximum(cnt, 1.0)
    pre = _mmT(mean, wl_ref[...]) + bl_ref[...] + _mmT(x_ref[...], wr_ref[...])
    h = jnp.maximum(pre, 0.0)
    acc_ref[...] += jnp.sum(h, axis=0, keepdims=True)

    @pl.when(i == NBLK - 1)
    def _():
        pooled = acc_ref[...] * (1.0 / N)
        z = jnp.maximum(_mmT(pooled, w1_ref[...]) + b1_ref[...], 0.0)
        z2 = _mmT(z, w2_ref[...]) + b2_ref[...]
        m = jnp.max(z2, axis=1, keepdims=True)
        e = z2 - m
        lse = jnp.log(jnp.sum(jnp.exp(e), axis=1, keepdims=True))
        o_ref[...] = e - lse


@functools.cache
def _make_head_call(interpret: bool = False):
    return pl.pallas_call(
        _head_body,
        grid=(NBLK,),
        in_specs=[
            pl.BlockSpec((BLK, D), lambda i: (i, 0)),
            pl.BlockSpec((NC, BLK, D), lambda i: (0, i, 0)),
            pl.BlockSpec((BLK, 1), lambda i: (i, 0)),
            pl.BlockSpec((BLK, 1), lambda i: (i, 0)),
            pl.BlockSpec((H, D), lambda i: (0, 0)),
            pl.BlockSpec((1, H), lambda i: (0, 0)),
            pl.BlockSpec((H, D), lambda i: (0, 0)),
            pl.BlockSpec((H, H), lambda i: (0, 0)),
            pl.BlockSpec((1, H), lambda i: (0, 0)),
            pl.BlockSpec((C, H), lambda i: (0, 0)),
            pl.BlockSpec((1, C), lambda i: (0, 0)),
        ],
        out_specs=pl.BlockSpec((1, C), lambda i: (0, 0)),
        out_shape=jax.ShapeDtypeStruct((1, C), jnp.float32),
        scratch_shapes=[pltpu.VMEM((1, H), jnp.float32)],
        interpret=interpret,
    )


def kernel(x, edge_index, Wl0, bl0, Wr0, Wl1, bl1, Wr1, Wl2, bl2, Wr2,
           W1, b1, W2, b2):
    src = edge_index[0]
    dst = edge_index[1]
    pad = EPAD - E
    ar = jnp.arange(pad, dtype=jnp.int32)
    srcp = jnp.concatenate([src, ar % N]).reshape(EPAD // CHUNK, CHUNK)
    dstp = jnp.concatenate([dst, N + ar % (NPAD - N)]).reshape(
        EPAD // CHUNK, CHUNK)
    zs = jnp.zeros((RPT, D), jnp.float32)
    zc = jnp.zeros((RPT,), jnp.float32)
    ones = jnp.ones((CHUNK,), jnp.float32)
    psum, cnt0, cnt1 = _make_seg_call()(srcp, dstp, x, zs, zc, ones)
    return _make_head_call()(x, psum, cnt0[:, None], cnt1[:, None], Wl2, bl2.reshape(1, H), Wr2,
                             W1, b1.reshape(1, H), W2, b2.reshape(1, C))

# --- scband reference (transcript-rebuilt; emitter-appended) ---
"""Pipeline reference for scband-graph-sage-20547123544332 (READ-ONLY COPY).

The authoritative reference and input builder live on the scoring server;
editing this copy changes nothing except your own understanding.
"""

import jax, jax.numpy as jnp
import numpy as np

N = 10000
E = 320000
D = 128
H = 128
C = 64


def setup_inputs(seed: int = 0) -> dict:
    key = jax.random.key(seed)
    ks = jax.random.split(key, 16)
    inp = {}
    inp["x"] = jax.random.normal(ks[0], (N, D), dtype=jnp.float32)
    inp["edge_index"] = jax.random.randint(ks[1], (2, E), 0, N, dtype=jnp.int32)
    # SAGEConv params per layer: lin_l (with bias) applied to aggregated neighbors,
    # lin_r (no bias) applied to root nodes. All layers map input_dim -> hidden_dim
    # (forward applies every layer to the ORIGINAL x, faithfully reproducing the module).
    for i in range(3):
        inp[f"Wl{i}"] = jax.random.normal(ks[2 + 3 * i], (H, D), dtype=jnp.float32) * 0.05
        inp[f"bl{i}"] = jnp.zeros((H,), dtype=jnp.float32)
        inp[f"Wr{i}"] = jax.random.normal(ks[3 + 3 * i], (H, D), dtype=jnp.float32) * 0.05
    inp["W1"] = jax.random.normal(ks[11], (H, H), dtype=jnp.float32) * 0.05
    inp["b1"] = jnp.zeros((H,), dtype=jnp.float32)
    inp["W2"] = jax.random.normal(ks[12], (C, H), dtype=jnp.float32) * 0.05
    inp["b2"] = jnp.zeros((C,), dtype=jnp.float32)
    return inp


def _sage_conv(x, edge_index, Wl, bl, Wr):
    src = edge_index[0]
    dst = edge_index[1]
    msgs = jnp.take(x, src, axis=0)
    summed = jax.ops.segment_sum(msgs, dst, num_segments=N)
    counts = jax.ops.segment_sum(jnp.ones((edge_index.shape[1],), dtype=x.dtype), dst, num_segments=N)
    mean_agg = summed / jnp.clip(counts, 1.0)[:, None]
    return mean_agg @ Wl.T + bl + x @ Wr.T


def reference(x, edge_index, Wl0, bl0, Wr0, Wl1, bl1, Wr1, Wl2, bl2, Wr2, W1, b1, W2, b2):
    # eval mode: dropout is identity
    layer_params = [(Wl0, bl0, Wr0), (Wl1, bl1, Wr1), (Wl2, bl2, Wr2)]
    h = None
    for (Wl, bl, Wr) in layer_params:
        h = jax.nn.relu(_sage_conv(x, edge_index, Wl, bl, Wr))
    # global_mean_pool with batch=None -> mean over all nodes, single graph
    pooled = jnp.mean(h, axis=0, keepdims=True)
    z = jax.nn.relu(pooled @ W1.T + b1)
    z = z @ W2.T + b2
    return jax.nn.log_softmax(z, axis=1)

if __name__ == "__main__":
    import jax
    _d = setup_inputs()
    print(jax.jit(kernel)(*tuple(_d.values())))

</pallas_src>

<mosaic_0001>
#map = affine_map<(d0, d1) -> (0, 0)>
#map1 = affine_map<(d0, d1) -> (0)>
#map2 = affine_map<(d0, d1) -> (0, 0, 0)>
module attributes {stable_mosaic.version = 14 : i64} {
  func.func @_seg_body(%arg0: i32, %arg1: i32, %arg2: memref<2560x128xi32, #tpu.memory_space<hbm>>, %arg3: memref<2560x128xi32, #tpu.memory_space<hbm>>, %arg4: memref<10000x128xf32, #tpu.memory_space<hbm>>, %arg5: memref<640x128xf32, #tpu.memory_space<hbm>>, %arg6: memref<640xf32, #tpu.memory_space<hbm>>, %arg7: memref<128xf32, #tpu.memory_space<hbm>>, %arg8: memref<2x10240x128xf32, #tpu.memory_space<hbm>>, %arg9: memref<10240xf32, #tpu.memory_space<hbm>>, %arg10: memref<10240xf32, #tpu.memory_space<hbm>>, %arg11: memref<10240x128xf32, #tpu.memory_space<vmem_shared>>, %arg12: memref<10240xf32, #tpu.memory_space<vmem_shared>>, %arg13: memref<40x128xi32, #tpu.memory_space<vmem>>, %arg14: memref<40x128xi32, #tpu.memory_space<vmem>>, %arg15: memref<128x128xf32, #tpu.memory_space<vmem>>, %arg16: memref<128x128xf32, #tpu.memory_space<vmem>>, %arg17: memref<128xf32, #tpu.memory_space<vmem>>, %arg18: memref<!tpu.dma_semaphore, #tpu.memory_space<semaphore_mem>>, %arg19: memref<!tpu.dma_semaphore, #tpu.memory_space<semaphore_mem>>, %arg20: memref<!tpu.dma_semaphore, #tpu.memory_space<semaphore_mem>>) attributes {dimension_semantics = [#tpu.dimension_semantics<core_parallel>, #tpu.dimension_semantics<subcore_parallel>], iteration_bounds = array<i64: 2, 16>, scalar_prefetch = 0 : i64, scratch_operands = 10 : i64, tpu.core_type = #tpu.core_type<sc_vector_subcore>, window_params = [{transform_indices = #map}, {transform_indices = #map}, {transform_indices = #map}, {transform_indices = #map}, {transform_indices = #map1}, {transform_indices = #map1}, {transform_indices = #map2}, {transform_indices = #map1}, {transform_indices = #map1}]} {
    %mul3A = arith.constant 2 : i32
    %mul3A_0 = arith.muli %arg1, %mul3A : i32
    %add3A = arith.addi %mul3A_0, %arg0 : i32
    %mul3A_1 = arith.constant 640 : i32
    %mul3A_2 = arith.muli %arg1, %mul3A_1 : i32
    %dma_start3A = arith.constant 0 : i32
    %dma_start3A_3 = tpu.memref_slice %arg11[%mul3A_2, %dma_start3A] : memref<10240x128xf32, #tpu.memory_space<vmem_shared>> -> memref<640x128xf32, #tpu.memory_space<vmem_shared>>
    tpu.enqueue_dma source(%arg5 : memref<640x128xf32, #tpu.memory_space<hbm>>) target(%dma_start3A_3 : memref<640x128xf32, #tpu.memory_space<vmem_shared>>) target_semaphore(%arg18 : memref<!tpu.dma_semaphore, #tpu.memory_space<semaphore_mem>>)
    %mul3A_4 = arith.constant 640 : i32
    %mul3A_5 = arith.muli %arg1, %mul3A_4 : i32
    %dma_start3A_6 = tpu.memref_slice %arg12[%mul3A_5] : memref<10240xf32, #tpu.memory_space<vmem_shared>> -> memref<640xf32, #tpu.memory_space<vmem_shared>>
    tpu.enqueue_dma source(%arg6 : memref<640xf32, #tpu.memory_space<hbm>>) target(%dma_start3A_6 : memref<640xf32, #tpu.memory_space<vmem_shared>>) target_semaphore(%arg19 : memref<!tpu.dma_semaphore, #tpu.memory_space<semaphore_mem>>)
    "tpu.region"() ({
      %run_scoped3A = tpu.sem_alloc : memref<!tpu.dma_semaphore, #tpu.memory_space<semaphore_mem>>
      tpu.enqueue_dma source(%arg7 : memref<128xf32, #tpu.memory_space<hbm>>) target(%arg17 : memref<128xf32, #tpu.memory_space<vmem>>) target_semaphore(%run_scoped3A : memref<!tpu.dma_semaphore, #tpu.memory_space<semaphore_mem>>)
      tpu.wait_dma2 semaphore(%run_scoped3A : memref<!tpu.dma_semaphore, #tpu.memory_space<semaphore_mem>>) src(%arg7 : memref<128xf32, #tpu.memory_space<hbm>>) dst(%arg17 : memref<128xf32, #tpu.memory_space<vmem>>)
      tpu.yield
    }) : () -> ()
    %dma_wait3A = arith.constant 0 : i32
    %dma_wait3A_7 = tpu.memref_slice %arg11[%mul3A_2, %dma_wait3A] : memref<10240x128xf32, #tpu.memory_space<vmem_shared>> -> memref<640x128xf32, #tpu.memory_space<vmem_shared>>
    tpu.wait_dma2 semaphore(%arg18 : memref<!tpu.dma_semaphore, #tpu.memory_space<semaphore_mem>>) src(%arg5 : memref<640x128xf32, #tpu.memory_space<hbm>>) dst(%dma_wait3A_7 : memref<640x128xf32, #tpu.memory_space<vmem_shared>>)
    %dma_wait3A_8 = tpu.memref_slice %arg12[%mul3A_5] : memref<10240xf32, #tpu.memory_space<vmem_shared>> -> memref<640xf32, #tpu.memory_space<vmem_shared>>
    tpu.wait_dma2 semaphore(%arg19 : memref<!tpu.dma_semaphore, #tpu.memory_space<semaphore_mem>>) src(%arg6 : memref<640xf32, #tpu.memory_space<hbm>>) dst(%dma_wait3A_8 : memref<640xf32, #tpu.memory_space<vmem_shared>>)
    %barrier3A = arith.constant 0 : index
    tpu.barrier barrier_id(%barrier3A)
    %mul3A_9 = arith.constant 80 : i32
    %mul3A_10 = arith.muli %add3A, %mul3A_9 : i32
    %add3A_11 = arith.constant 0 : i32
    %add3A_12 = arith.addi %mul3A_10, %add3A_11 : i32
    "tpu.region"() ({
      %run_scoped3A = tpu.sem_alloc : memref<!tpu.dma_semaphore, #tpu.memory_space<semaphore_mem>>
      %dma_start3A_80 = arith.constant 0 : i32
      %dma_start3A_81 = tpu.memref_slice %arg2[%add3A_12, %dma_start3A_80] : memref<2560x128xi32, #tpu.memory_space<hbm>> -> memref<40x128xi32, #tpu.memory_space<hbm>>
      %dma_start3A_82 = arith.constant 0 : i32
      %dma_start3A_83 = tpu.memref_slice %arg2[%add3A_12, %dma_start3A_82] : memref<2560x128xi32, #tpu.memory_space<hbm>> -> memref<40x128xi32, #tpu.memory_space<hbm>>
      tpu.enqueue_dma source(%dma_start3A_83 : memref<40x128xi32, #tpu.memory_space<hbm>>) target(%arg13 : memref<40x128xi32, #tpu.memory_space<vmem>>) target_semaphore(%run_scoped3A : memref<!tpu.dma_semaphore, #tpu.memory_space<semaphore_mem>>)
      %dma_wait3A_84 = arith.constant 0 : i32
      %dma_wait3A_85 = tpu.memref_slice %arg2[%add3A_12, %dma_wait3A_84] : memref<2560x128xi32, #tpu.memory_space<hbm>> -> memref<40x128xi32, #tpu.memory_space<hbm>>
      %dma_wait3A_86 = arith.constant 0 : i32
      %dma_wait3A_87 = tpu.memref_slice %arg2[%add3A_12, %dma_wait3A_86] : memref<2560x128xi32, #tpu.memory_space<hbm>> -> memref<40x128xi32, #tpu.memory_space<hbm>>
      tpu.wait_dma2 semaphore(%run_scoped3A : memref<!tpu.dma_semaphore, #tpu.memory_space<semaphore_mem>>) src(%dma_wait3A_87 : memref<40x128xi32, #tpu.memory_space<hbm>>) dst(%arg13 : memref<40x128xi32, #tpu.memory_space<vmem>>)
      tpu.yield
    }) : () -> ()
    %mul3A_13 = arith.constant 80 : i32
    %mul3A_14 = arith.muli %add3A, %mul3A_13 : i32
    %add3A_15 = arith.constant 0 : i32
    %add3A_16 = arith.addi %mul3A_14, %add3A_15 : i32
    "tpu.region"() ({
      %run_scoped3A = tpu.sem_alloc : memref<!tpu.dma_semaphore, #tpu.memory_space<semaphore_mem>>
      %dma_start3A_80 = arith.constant 0 : i32
      %dma_start3A_81 = tpu.memref_slice %arg3[%add3A_16, %dma_start3A_80] : memref<2560x128xi32, #tpu.memory_space<hbm>> -> memref<40x128xi32, #tpu.memory_space<hbm>>
      %dma_start3A_82 = arith.constant 0 : i32
      %dma_start3A_83 = tpu.memref_slice %arg3[%add3A_16, %dma_start3A_82] : memref<2560x128xi32, #tpu.memory_space<hbm>> -> memref<40x128xi32, #tpu.memory_space<hbm>>
      tpu.enqueue_dma source(%dma_start3A_83 : memref<40x128xi32, #tpu.memory_space<hbm>>) target(%arg14 : memref<40x128xi32, #tpu.memory_space<vmem>>) target_semaphore(%run_scoped3A : memref<!tpu.dma_semaphore, #tpu.memory_space<semaphore_mem>>)
      %dma_wait3A_84 = arith.constant 0 : i32
      %dma_wait3A_85 = tpu.memref_slice %arg3[%add3A_16, %dma_wait3A_84] : memref<2560x128xi32, #tpu.memory_space<hbm>> -> memref<40x128xi32, #tpu.memory_space<hbm>>
      %dma_wait3A_86 = arith.constant 0 : i32
      %dma_wait3A_87 = tpu.memref_slice %arg3[%add3A_16, %dma_wait3A_86] : memref<2560x128xi32, #tpu.memory_space<hbm>> -> memref<40x128xi32, #tpu.memory_space<hbm>>
      tpu.wait_dma2 semaphore(%run_scoped3A : memref<!tpu.dma_semaphore, #tpu.memory_space<semaphore_mem>>) src(%dma_wait3A_87 : memref<40x128xi32, #tpu.memory_space<hbm>>) dst(%arg14 : memref<40x128xi32, #tpu.memory_space<vmem>>)
      tpu.yield
    }) : () -> ()
    %dma_start3A_17 = arith.constant 0 : i32
    %dma_start3A_18 = arith.constant 0 : i32
    %dma_start3A_19 = tpu.memref_slice %arg13[%dma_start3A_17, %dma_start3A_18] : memref<40x128xi32, #tpu.memory_space<vmem>> -> memref<1x128xi32, #tpu.memory_space<vmem>>
    %dma_start3A_20 = tpu.memref_squeeze %dma_start3A_19 : memref<1x128xi32, #tpu.memory_space<vmem>> -> memref<128xi32, #tpu.memory_space<vmem>>
    %dma_start3A_21 = arith.constant 0 : i32
    %dma_start3A_22 = arith.constant 0 : i32
    %dma_start3A_23 = tpu.memref_slice %arg4[%dma_start3A_21, %dma_start3A_22] : memref<10000x128xf32, #tpu.memory_space<hbm>> -> memref<10000x128xf32, #tpu.memory_space<hbm>>
    tpu.enqueue_indirect_dma source(%dma_start3A_23 : memref<10000x128xf32, #tpu.memory_space<hbm>>) target(%arg15 : memref<128x128xf32, #tpu.memory_space<vmem>>) offsets(%dma_start3A_20 : memref<128xi32, #tpu.memory_space<vmem>>) semaphore(%arg18 : memref<!tpu.dma_semaphore, #tpu.memory_space<semaphore_mem>>)
    %scan3A = arith.constant 0 : i32
    %scan3A_24 = arith.constant 20 : i32
    %scan3A_25 = arith.addi %scan3A, %scan3A_24 : i32
    %scan3A_26 = arith.constant 1 : i32
    scf.for %scan3A_80 = %scan3A to %scan3A_25 step %scan3A_26  : i32 {
      %mul3A_81 = arith.constant 2 : i32
      %mul3A_82 = arith.muli %scan3A_80, %mul3A_81 : i32
      %add3A_83 = arith.constant 0 : i32
      %add3A_84 = arith.addi %add3A_83, %mul3A_82 : i32
      %add3A_85 = arith.constant 1 : i32
      %add3A_86 = arith.addi %add3A_84, %add3A_85 : i32
      %dma_start3A_87 = arith.constant 0 : i32
      %dma_start3A_88 = tpu.memref_slice %arg13[%add3A_86, %dma_start3A_87] : memref<40x128xi32, #tpu.memory_space<vmem>> -> memref<1x128xi32, #tpu.memory_space<vmem>>
      %dma_start3A_89 = tpu.memref_squeeze %dma_start3A_88 : memref<1x128xi32, #tpu.memory_space<vmem>> -> memref<128xi32, #tpu.memory_space<vmem>>
      %dma_start3A_90 = arith.constant 0 : i32
      %dma_start3A_91 = arith.constant 0 : i32
      %dma_start3A_92 = tpu.memref_slice %arg4[%dma_start3A_90, %dma_start3A_91] : memref<10000x128xf32, #tpu.memory_space<hbm>> -> memref<10000x128xf32, #tpu.memory_space<hbm>>
      tpu.enqueue_indirect_dma source(%dma_start3A_92 : memref<10000x128xf32, #tpu.memory_space<hbm>>) target(%arg16 : memref<128x128xf32, #tpu.memory_space<vmem>>) offsets(%dma_start3A_89 : memref<128xi32, #tpu.memory_space<vmem>>) semaphore(%arg19 : memref<!tpu.dma_semaphore, #tpu.memory_space<semaphore_mem>>)
      %dma_wait3A_93 = arith.constant 0 : i32
      %dma_wait3A_94 = tpu.memref_slice %arg13[%add3A_84, %dma_wait3A_93] : memref<40x128xi32, #tpu.memory_space<vmem>> -> memref<1x128xi32, #tpu.memory_space<vmem>>
      %dma_wait3A_95 = tpu.memref_squeeze %dma_wait3A_94 : memref<1x128xi32, #tpu.memory_space<vmem>> -> memref<128xi32, #tpu.memory_space<vmem>>
      %dma_wait3A_96 = arith.constant 0 : i32
      %dma_wait3A_97 = arith.constant 0 : i32
      %dma_wait3A_98 = tpu.memref_slice %arg4[%dma_wait3A_96, %dma_wait3A_97] : memref<10000x128xf32, #tpu.memory_space<hbm>> -> memref<10000x128xf32, #tpu.memory_space<hbm>>
      tpu.wait_indirect_dma semaphore(%arg18 : memref<!tpu.dma_semaphore, #tpu.memory_space<semaphore_mem>>) src(%dma_wait3A_98 : memref<10000x128xf32, #tpu.memory_space<hbm>>) dst(%arg15 : memref<128x128xf32, #tpu.memory_space<vmem>>)
      "tpu.region"() ({
        %run_scoped3A = tpu.sem_alloc : memref<!tpu.dma_semaphore, #tpu.memory_space<semaphore_mem>>
        %dma_start3A_121 = arith.constant 0 : i32
        %dma_start3A_122 = tpu.memref_slice %arg14[%add3A_84, %dma_start3A_121] : memref<40x128xi32, #tpu.memory_space<vmem>> -> memref<1x128xi32, #tpu.memory_space<vmem>>
        %dma_start3A_123 = tpu.memref_squeeze %dma_start3A_122 : memref<1x128xi32, #tpu.memory_space<vmem>> -> memref<128xi32, #tpu.memory_space<vmem>>
        %dma_start3A_124 = arith.constant 0 : i32
        %dma_start3A_125 = arith.constant 0 : i32
        %dma_start3A_126 = tpu.memref_slice %arg11[%dma_start3A_124, %dma_start3A_125] : memref<10240x128xf32, #tpu.memory_space<vmem_shared>> -> memref<10240x128xf32, #tpu.memory_space<vmem_shared>>
        tpu.enqueue_indirect_dma source(%arg15 : memref<128x128xf32, #tpu.memory_space<vmem>>) target(%dma_start3A_126 : memref<10240x128xf32, #tpu.memory_space<vmem_shared>>) offsets(%dma_start3A_123 : memref<128xi32, #tpu.memory_space<vmem>>) semaphore(%run_scoped3A : memref<!tpu.dma_semaphore, #tpu.memory_space<semaphore_mem>>) {add = true}
        %dma_wait3A_127 = arith.constant 0 : i32
        %dma_wait3A_128 = tpu.memref_slice %arg14[%add3A_84, %dma_wait3A_127] : memref<40x128xi32, #tpu.memory_space<vmem>> -> memref<1x128xi32, #tpu.memory_space<vmem>>
        %dma_wait3A_129 = tpu.memref_squeeze %dma_wait3A_128 : memref<1x128xi32, #tpu.memory_space<vmem>> -> memref<128xi32, #tpu.memory_space<vmem>>
        %dma_wait3A_130 = arith.constant 0 : i32
        %dma_wait3A_131 = arith.constant 0 : i32
        %dma_wait3A_132 = tpu.memref_slice %arg11[%dma_wait3A_130, %dma_wait3A_131] : memref<10240x128xf32, #tpu.memory_space<vmem_shared>> -> memref<10240x128xf32, #tpu.memory_space<vmem_shared>>
        tpu.wait_indirect_dma semaphore(%run_scoped3A : memref<!tpu.dma_semaphore, #tpu.memory_space<semaphore_mem>>) src(%arg15 : memref<128x128xf32, #tpu.memory_space<vmem>>) dst(%dma_wait3A_132 : memref<10240x128xf32, #tpu.memory_space<vmem_shared>>)
        tpu.yield
      }) : () -> ()
      %dma_start3A_99 = arith.constant 0 : i32
      %dma_start3A_100 = tpu.memref_slice %arg14[%add3A_84, %dma_start3A_99] : memref<40x128xi32, #tpu.memory_space<vmem>> -> memref<1x128xi32, #tpu.memory_space<vmem>>
      %dma_start3A_101 = tpu.memref_squeeze %dma_start3A_100 : memref<1x128xi32, #tpu.memory_space<vmem>> -> memref<128xi32, #tpu.memory_space<vmem>>
      %dma_start3A_102 = arith.constant 0 : i32
      %dma_start3A_103 = tpu.memref_slice %arg12[%dma_start3A_102] : memref<10240xf32, #tpu.memory_space<vmem_shared>> -> memref<10240xf32, #tpu.memory_space<vmem_shared>>
      tpu.enqueue_indirect_dma source(%arg17 : memref<128xf32, #tpu.memory_space<vmem>>) target(%dma_start3A_103 : memref<10240xf32, #tpu.memory_space<vmem_shared>>) offsets(%dma_start3A_101 : memref<128xi32, #tpu.memory_space<vmem>>) semaphore(%arg20 : memref<!tpu.dma_semaphore, #tpu.memory_space<semaphore_mem>>) {add = true}
      %add3A_104 = arith.constant 2 : i32
      %add3A_105 = arith.addi %add3A_84, %add3A_104 : i32
      %lt3A = arith.constant 40 : i32
      %lt3A_106 = arith.cmpi slt, %add3A_105, %lt3A : i32
      %convert_element_type3A_107 = arith.extui %lt3A_106 : i1 to i32
      %cond3A_108 = arith.constant 0 : i32
      %cond3A_109 = arith.cmpi ne, %convert_element_type3A_107, %cond3A_108 : i32
      scf.if %cond3A_109 {
        %add3A_121 = arith.constant 2 : i32
        %add3A_122 = arith.addi %add3A_84, %add3A_121 : i32
        %dma_start3A_123 = arith.constant 0 : i32
        %dma_start3A_124 = tpu.memref_slice %arg13[%add3A_122, %dma_start3A_123] : memref<40x128xi32, #tpu.memory_space<vmem>> -> memref<1x128xi32, #tpu.memory_space<vmem>>
        %dma_start3A_125 = tpu.memref_squeeze %dma_start3A_124 : memref<1x128xi32, #tpu.memory_space<vmem>> -> memref<128xi32, #tpu.memory_space<vmem>>
        %dma_start3A_126 = arith.constant 0 : i32
        %dma_start3A_127 = arith.constant 0 : i32
        %dma_start3A_128 = tpu.memref_slice %arg4[%dma_start3A_126, %dma_start3A_127] : memref<10000x128xf32, #tpu.memory_space<hbm>> -> memref<10000x128xf32, #tpu.memory_space<hbm>>
        tpu.enqueue_indirect_dma source(%dma_start3A_128 : memref<10000x128xf32, #tpu.memory_space<hbm>>) target(%arg15 : memref<128x128xf32, #tpu.memory_space<vmem>>) offsets(%dma_start3A_125 : memref<128xi32, #tpu.memory_space<vmem>>) semaphore(%arg18 : memref<!tpu.dma_semaphore, #tpu.memory_space<semaphore_mem>>)
      } else {
      }
      %dma_wait3A_110 = arith.constant 0 : i32
      %dma_wait3A_111 = tpu.memref_slice %arg13[%add3A_86, %dma_wait3A_110] : memref<40x128xi32, #tpu.memory_space<vmem>> -> memref<1x128xi32, #tpu.memory_space<vmem>>
      %dma_wait3A_112 = tpu.memref_squeeze %dma_wait3A_111 : memref<1x128xi32, #tpu.memory_space<vmem>> -> memref<128xi32, #tpu.memory_space<vmem>>
      %dma_wait3A_113 = arith.constant 0 : i32
      %dma_wait3A_114 = arith.constant 0 : i32
      %dma_wait3A_115 = tpu.memref_slice %arg4[%dma_wait3A_113, %dma_wait3A_114] : memref<10000x128xf32, #tpu.memory_space<hbm>> -> memref<10000x128xf32, #tpu.memory_space<hbm>>
      tpu.wait_indirect_dma semaphore(%arg19 : memref<!tpu.dma_semaphore, #tpu.memory_space<semaphore_mem>>) src(%dma_wait3A_115 : memref<10000x128xf32, #tpu.memory_space<hbm>>) dst(%arg16 : memref<128x128xf32, #tpu.memory_space<vmem>>)
      "tpu.region"() ({
        %run_scoped3A = tpu.sem_alloc : memref<!tpu.dma_semaphore, #tpu.memory_space<semaphore_mem>>
        %dma_start3A_121 = arith.constant 0 : i32
        %dma_start3A_122 = tpu.memref_slice %arg14[%add3A_86, %dma_start3A_121] : memref<40x128xi32, #tpu.memory_space<vmem>> -> memref<1x128xi32, #tpu.memory_space<vmem>>
        %dma_start3A_123 = tpu.memref_squeeze %dma_start3A_122 : memref<1x128xi32, #tpu.memory_space<vmem>> -> memref<128xi32, #tpu.memory_space<vmem>>
        %dma_start3A_124 = arith.constant 0 : i32
        %dma_start3A_125 = arith.constant 0 : i32
        %dma_start3A_126 = tpu.memref_slice %arg11[%dma_start3A_124, %dma_start3A_125] : memref<10240x128xf32, #tpu.memory_space<vmem_shared>> -> memref<10240x128xf32, #tpu.memory_space<vmem_shared>>
        tpu.enqueue_indirect_dma source(%arg16 : memref<128x128xf32, #tpu.memory_space<vmem>>) target(%dma_start3A_126 : memref<10240x128xf32, #tpu.memory_space<vmem_shared>>) offsets(%dma_start3A_123 : memref<128xi32, #tpu.memory_space<vmem>>) semaphore(%run_scoped3A : memref<!tpu.dma_semaphore, #tpu.memory_space<semaphore_mem>>) {add = true}
        %dma_wait3A_127 = arith.constant 0 : i32
        %dma_wait3A_128 = tpu.memref_slice %arg14[%add3A_86, %dma_wait3A_127] : memref<40x128xi32, #tpu.memory_space<vmem>> -> memref<1x128xi32, #tpu.memory_space<vmem>>
        %dma_wait3A_129 = tpu.memref_squeeze %dma_wait3A_128 : memref<1x128xi32, #tpu.memory_space<vmem>> -> memref<128xi32, #tpu.memory_space<vmem>>
        %dma_wait3A_130 = arith.constant 0 : i32
        %dma_wait3A_131 = arith.constant 0 : i32
        %dma_wait3A_132 = tpu.memref_slice %arg11[%dma_wait3A_130, %dma_wait3A_131] : memref<10240x128xf32, #tpu.memory_space<vmem_shared>> -> memref<10240x128xf32, #tpu.memory_space<vmem_shared>>
        tpu.wait_indirect_dma semaphore(%run_scoped3A : memref<!tpu.dma_semaphore, #tpu.memory_space<semaphore_mem>>) src(%arg16 : memref<128x128xf32, #tpu.memory_space<vmem>>) dst(%dma_wait3A_132 : memref<10240x128xf32, #tpu.memory_space<vmem_shared>>)
        tpu.yield
      }) : () -> ()
      %dma_start3A_116 = arith.constant 0 : i32
      %dma_start3A_117 = tpu.memref_slice %arg14[%add3A_86, %dma_start3A_116] : memref<40x128xi32, #tpu.memory_space<vmem>> -> memref<1x128xi32, #tpu.memory_space<vmem>>
      %dma_start3A_118 = tpu.memref_squeeze %dma_start3A_117 : memref<1x128xi32, #tpu.memory_space<vmem>> -> memref<128xi32, #tpu.memory_space<vmem>>
      %dma_start3A_119 = arith.constant 0 : i32
      %dma_start3A_120 = tpu.memref_slice %arg12[%dma_start3A_119] : memref<10240xf32, #tpu.memory_space<vmem_shared>> -> memref<10240xf32, #tpu.memory_space<vmem_shared>>
      tpu.enqueue_indirect_dma source(%arg17 : memref<128xf32, #tpu.memory_space<vmem>>) target(%dma_start3A_120 : memref<10240xf32, #tpu.memory_space<vmem_shared>>) offsets(%dma_start3A_118 : memref<128xi32, #tpu.memory_space<vmem>>) semaphore(%arg20 : memref<!tpu.dma_semaphore, #tpu.memory_space<semaphore_mem>>) {add = true}
    }
    %scan3A_27 = arith.constant 20 : i32
    %scan3A_28 = arith.constant 0 : i32
    %scan3A_29 = arith.constant 40 : i32
    %scan3A_30 = arith.addi %scan3A_28, %scan3A_29 : i32
    %scan3A_31 = arith.constant 1 : i32
    scf.for %scan3A_80 = %scan3A_28 to %scan3A_30 step %scan3A_31  : i32 {
      %mul3A_81 = arith.constant 1 : i32
      %mul3A_82 = arith.muli %scan3A_80, %mul3A_81 : i32
      %add3A_83 = arith.constant 0 : i32
      %add3A_84 = arith.addi %add3A_83, %mul3A_82 : i32
      %dma_wait3A_85 = arith.constant 0 : i32
      %dma_wait3A_86 = arith.constant 0 : i32
      %dma_wait3A_87 = tpu.memref_slice %arg14[%dma_wait3A_85, %dma_wait3A_86] : memref<40x128xi32, #tpu.memory_space<vmem>> -> memref<1x128xi32, #tpu.memory_space<vmem>>
      %dma_wait3A_88 = tpu.memref_squeeze %dma_wait3A_87 : memref<1x128xi32, #tpu.memory_space<vmem>> -> memref<128xi32, #tpu.memory_space<vmem>>
      %dma_wait3A_89 = arith.constant 0 : i32
      %dma_wait3A_90 = tpu.memref_slice %arg12[%dma_wait3A_89] : memref<10240xf32, #tpu.memory_space<vmem_shared>> -> memref<10240xf32, #tpu.memory_space<vmem_shared>>
      tpu.wait_indirect_dma semaphore(%arg20 : memref<!tpu.dma_semaphore, #tpu.memory_space<semaphore_mem>>) src(%arg17 : memref<128xf32, #tpu.memory_space<vmem>>) dst(%dma_wait3A_90 : memref<10240xf32, #tpu.memory_space<vmem_shared>>)
    }
    %scan3A_32 = arith.constant 40 : i32
    %mul3A_33 = arith.constant 80 : i32
    %mul3A_34 = arith.muli %add3A, %mul3A_33 : i32
    %add3A_35 = arith.constant 40 : i32
    %add3A_36 = arith.addi %mul3A_34, %add3A_35 : i32
    "tpu.region"() ({
      %run_scoped3A = tpu.sem_alloc : memref<!tpu.dma_semaphore, #tpu.memory_space<semaphore_mem>>
      %dma_start3A_80 = arith.constant 0 : i32
      %dma_start3A_81 = tpu.memref_slice %arg2[%add3A_36, %dma_start3A_80] : memref<2560x128xi32, #tpu.memory_space<hbm>> -> memref<40x128xi32, #tpu.memory_space<hbm>>
      %dma_start3A_82 = arith.constant 0 : i32
      %dma_start3A_83 = tpu.memref_slice %arg2[%add3A_36, %dma_start3A_82] : memref<2560x128xi32, #tpu.memory_space<hbm>> -> memref<40x128xi32, #tpu.memory_space<hbm>>
      tpu.enqueue_dma source(%dma_start3A_83 : memref<40x128xi32, #tpu.memory_space<hbm>>) target(%arg13 : memref<40x128xi32, #tpu.memory_space<vmem>>) target_semaphore(%run_scoped3A : memref<!tpu.dma_semaphore, #tpu.memory_space<semaphore_mem>>)
      %dma_wait3A_84 = arith.constant 0 : i32
      %dma_wait3A_85 = tpu.memref_slice %arg2[%add3A_36, %dma_wait3A_84] : memref<2560x128xi32, #tpu.memory_space<hbm>> -> memref<40x128xi32, #tpu.memory_space<hbm>>
      %dma_wait3A_86 = arith.constant 0 : i32
      %dma_wait3A_87 = tpu.memref_slice %arg2[%add3A_36, %dma_wait3A_86] : memref<2560x128xi32, #tpu.memory_space<hbm>> -> memref<40x128xi32, #tpu.memory_space<hbm>>
      tpu.wait_dma2 semaphore(%run_scoped3A : memref<!tpu.dma_semaphore, #tpu.memory_space<semaphore_mem>>) src(%dma_wait3A_87 : memref<40x128xi32, #tpu.memory_space<hbm>>) dst(%arg13 : memref<40x128xi32, #tpu.memory_space<vmem>>)
      tpu.yield
    }) : () -> ()
    %mul3A_37 = arith.constant 80 : i32
    %mul3A_38 = arith.muli %add3A, %mul3A_37 : i32
    %add3A_39 = arith.constant 40 : i32
    %add3A_40 = arith.addi %mul3A_38, %add3A_39 : i32
    "tpu.region"() ({
      %run_scoped3A = tpu.sem_alloc : memref<!tpu.dma_semaphore, #tpu.memory_space<semaphore_mem>>
      %dma_start3A_80 = arith.constant 0 : i32
      %dma_start3A_81 = tpu.memref_slice %arg3[%add3A_40, %dma_start3A_80] : memref<2560x128xi32, #tpu.memory_space<hbm>> -> memref<40x128xi32, #tpu.memory_space<hbm>>
      %dma_start3A_82 = arith.constant 0 : i32
      %dma_start3A_83 = tpu.memref_slice %arg3[%add3A_40, %dma_start3A_82] : memref<2560x128xi32, #tpu.memory_space<hbm>> -> memref<40x128xi32, #tpu.memory_space<hbm>>
      tpu.enqueue_dma source(%dma_start3A_83 : memref<40x128xi32, #tpu.memory_space<hbm>>) target(%arg14 : memref<40x128xi32, #tpu.memory_space<vmem>>) target_semaphore(%run_scoped3A : memref<!tpu.dma_semaphore, #tpu.memory_space<semaphore_mem>>)
      %dma_wait3A_84 = arith.constant 0 : i32
      %dma_wait3A_85 = tpu.memref_slice %arg3[%add3A_40, %dma_wait3A_84] : memref<2560x128xi32, #tpu.memory_space<hbm>> -> memref<40x128xi32, #tpu.memory_space<hbm>>
      %dma_wait3A_86 = arith.constant 0 : i32
      %dma_wait3A_87 = tpu.memref_slice %arg3[%add3A_40, %dma_wait3A_86] : memref<2560x128xi32, #tpu.memory_space<hbm>> -> memref<40x128xi32, #tpu.memory_space<hbm>>
      tpu.wait_dma2 semaphore(%run_scoped3A : memref<!tpu.dma_semaphore, #tpu.memory_space<semaphore_mem>>) src(%dma_wait3A_87 : memref<40x128xi32, #tpu.memory_space<hbm>>) dst(%arg14 : memref<40x128xi32, #tpu.memory_space<vmem>>)
      tpu.yield
    }) : () -> ()
    %dma_start3A_41 = arith.constant 0 : i32
    %dma_start3A_42 = arith.constant 0 : i32
    %dma_start3A_43 = tpu.memref_slice %arg13[%dma_start3A_41, %dma_start3A_42] : memref<40x128xi32, #tpu.memory_space<vmem>> -> memref<1x128xi32, #tpu.memory_space<vmem>>
    %dma_start3A_44 = tpu.memref_squeeze %dma_start3A_43 : memref<1x128xi32, #tpu.memory_space<vmem>> -> memref<128xi32, #tpu.memory_space<vmem>>
    %dma_start3A_45 = arith.constant 0 : i32
    %dma_start3A_46 = arith.constant 0 : i32
    %dma_start3A_47 = tpu.memref_slice %arg4[%dma_start3A_45, %dma_start3A_46] : memref<10000x128xf32, #tpu.memory_space<hbm>> -> memref<10000x128xf32, #tpu.memory_space<hbm>>
    tpu.enqueue_indirect_dma source(%dma_start3A_47 : memref<10000x128xf32, #tpu.memory_space<hbm>>) target(%arg15 : memref<128x128xf32, #tpu.memory_space<vmem>>) offsets(%dma_start3A_44 : memref<128xi32, #tpu.memory_space<vmem>>) semaphore(%arg18 : memref<!tpu.dma_semaphore, #tpu.memory_space<semaphore_mem>>)
    %scan3A_48 = arith.constant 0 : i32
    %scan3A_49 = arith.constant 20 : i32
    %scan3A_50 = arith.addi %scan3A_48, %scan3A_49 : i32
    %scan3A_51 = arith.constant 1 : i32
    scf.for %scan3A_80 = %scan3A_48 to %scan3A_50 step %scan3A_51  : i32 {
      %mul3A_81 = arith.constant 2 : i32
      %mul3A_82 = arith.muli %scan3A_80, %mul3A_81 : i32
      %add3A_83 = arith.constant 0 : i32
      %add3A_84 = arith.addi %add3A_83, %mul3A_82 : i32
      %add3A_85 = arith.constant 1 : i32
      %add3A_86 = arith.addi %add3A_84, %add3A_85 : i32
      %dma_start3A_87 = arith.constant 0 : i32
      %dma_start3A_88 = tpu.memref_slice %arg13[%add3A_86, %dma_start3A_87] : memref<40x128xi32, #tpu.memory_space<vmem>> -> memref<1x128xi32, #tpu.memory_space<vmem>>
      %dma_start3A_89 = tpu.memref_squeeze %dma_start3A_88 : memref<1x128xi32, #tpu.memory_space<vmem>> -> memref<128xi32, #tpu.memory_space<vmem>>
      %dma_start3A_90 = arith.constant 0 : i32
      %dma_start3A_91 = arith.constant 0 : i32
      %dma_start3A_92 = tpu.memref_slice %arg4[%dma_start3A_90, %dma_start3A_91] : memref<10000x128xf32, #tpu.memory_space<hbm>> -> memref<10000x128xf32, #tpu.memory_space<hbm>>
      tpu.enqueue_indirect_dma source(%dma_start3A_92 : memref<10000x128xf32, #tpu.memory_space<hbm>>) target(%arg16 : memref<128x128xf32, #tpu.memory_space<vmem>>) offsets(%dma_start3A_89 : memref<128xi32, #tpu.memory_space<vmem>>) semaphore(%arg19 : memref<!tpu.dma_semaphore, #tpu.memory_space<semaphore_mem>>)
      %dma_wait3A_93 = arith.constant 0 : i32
      %dma_wait3A_94 = tpu.memref_slice %arg13[%add3A_84, %dma_wait3A_93] : memref<40x128xi32, #tpu.memory_space<vmem>> -> memref<1x128xi32, #tpu.memory_space<vmem>>
      %dma_wait3A_95 = tpu.memref_squeeze %dma_wait3A_94 : memref<1x128xi32, #tpu.memory_space<vmem>> -> memref<128xi32, #tpu.memory_space<vmem>>
      %dma_wait3A_96 = arith.constant 0 : i32
      %dma_wait3A_97 = arith.constant 0 : i32
      %dma_wait3A_98 = tpu.memref_slice %arg4[%dma_wait3A_96, %dma_wait3A_97] : memref<10000x128xf32, #tpu.memory_space<hbm>> -> memref<10000x128xf32, #tpu.memory_space<hbm>>
      tpu.wait_indirect_dma semaphore(%arg18 : memref<!tpu.dma_semaphore, #tpu.memory_space<semaphore_mem>>) src(%dma_wait3A_98 : memref<10000x128xf32, #tpu.memory_space<hbm>>) dst(%arg15 : memref<128x128xf32, #tpu.memory_space<vmem>>)
      "tpu.region"() ({
        %run_scoped3A = tpu.sem_alloc : memref<!tpu.dma_semaphore, #tpu.memory_space<semaphore_mem>>
        %dma_start3A_121 = arith.constant 0 : i32
        %dma_start3A_122 = tpu.memref_slice %arg14[%add3A_84, %dma_start3A_121] : memref<40x128xi32, #tpu.memory_space<vmem>> -> memref<1x128xi32, #tpu.memory_space<vmem>>
        %dma_start3A_123 = tpu.memref_squeeze %dma_start3A_122 : memref<1x128xi32, #tpu.memory_space<vmem>> -> memref<128xi32, #tpu.memory_space<vmem>>
        %dma_start3A_124 = arith.constant 0 : i32
        %dma_start3A_125 = arith.constant 0 : i32
        %dma_start3A_126 = tpu.memref_slice %arg11[%dma_start3A_124, %dma_start3A_125] : memref<10240x128xf32, #tpu.memory_space<vmem_shared>> -> memref<10240x128xf32, #tpu.memory_space<vmem_shared>>
        tpu.enqueue_indirect_dma source(%arg15 : memref<128x128xf32, #tpu.memory_space<vmem>>) target(%dma_start3A_126 : memref<10240x128xf32, #tpu.memory_space<vmem_shared>>) offsets(%dma_start3A_123 : memref<128xi32, #tpu.memory_space<vmem>>) semaphore(%run_scoped3A : memref<!tpu.dma_semaphore, #tpu.memory_space<semaphore_mem>>) {add = true}
        %dma_wait3A_127 = arith.constant 0 : i32
        %dma_wait3A_128 = tpu.memref_slice %arg14[%add3A_84, %dma_wait3A_127] : memref<40x128xi32, #tpu.memory_space<vmem>> -> memref<1x128xi32, #tpu.memory_space<vmem>>
        %dma_wait3A_129 = tpu.memref_squeeze %dma_wait3A_128 : memref<1x128xi32, #tpu.memory_space<vmem>> -> memref<128xi32, #tpu.memory_space<vmem>>
        %dma_wait3A_130 = arith.constant 0 : i32
        %dma_wait3A_131 = arith.constant 0 : i32
        %dma_wait3A_132 = tpu.memref_slice %arg11[%dma_wait3A_130, %dma_wait3A_131] : memref<10240x128xf32, #tpu.memory_space<vmem_shared>> -> memref<10240x128xf32, #tpu.memory_space<vmem_shared>>
        tpu.wait_indirect_dma semaphore(%run_scoped3A : memref<!tpu.dma_semaphore, #tpu.memory_space<semaphore_mem>>) src(%arg15 : memref<128x128xf32, #tpu.memory_space<vmem>>) dst(%dma_wait3A_132 : memref<10240x128xf32, #tpu.memory_space<vmem_shared>>)
        tpu.yield
      }) : () -> ()
      %dma_start3A_99 = arith.constant 0 : i32
      %dma_start3A_100 = tpu.memref_slice %arg14[%add3A_84, %dma_start3A_99] : memref<40x128xi32, #tpu.memory_space<vmem>> -> memref<1x128xi32, #tpu.memory_space<vmem>>
      %dma_start3A_101 = tpu.memref_squeeze %dma_start3A_100 : memref<1x128xi32, #tpu.memory_space<vmem>> -> memref<128xi32, #tpu.memory_space<vmem>>
      %dma_start3A_102 = arith.constant 0 : i32
      %dma_start3A_103 = tpu.memref_slice %arg12[%dma_start3A_102] : memref<10240xf32, #tpu.memory_space<vmem_shared>> -> memref<10240xf32, #tpu.memory_space<vmem_shared>>
      tpu.enqueue_indirect_dma source(%arg17 : memref<128xf32, #tpu.memory_space<vmem>>) target(%dma_start3A_103 : memref<10240xf32, #tpu.memory_space<vmem_shared>>) offsets(%dma_start3A_101 : memref<128xi32, #tpu.memory_space<vmem>>) semaphore(%arg20 : memref<!tpu.dma_semaphore, #tpu.memory_space<semaphore_mem>>) {add = true}
      %add3A_104 = arith.constant 2 : i32
      %add3A_105 = arith.addi %add3A_84, %add3A_104 : i32
      %lt3A = arith.constant 40 : i32
      %lt3A_106 = arith.cmpi slt, %add3A_105, %lt3A : i32
      %convert_element_type3A_107 = arith.extui %lt3A_106 : i1 to i32
      %cond3A_108 = arith.constant 0 : i32
      %cond3A_109 = arith.cmpi ne, %convert_element_type3A_107, %cond3A_108 : i32
      scf.if %cond3A_109 {
        %add3A_121 = arith.constant 2 : i32
        %add3A_122 = arith.addi %add3A_84, %add3A_121 : i32
        %dma_start3A_123 = arith.constant 0 : i32
        %dma_start3A_124 = tpu.memref_slice %arg13[%add3A_122, %dma_start3A_123] : memref<40x128xi32, #tpu.memory_space<vmem>> -> memref<1x128xi32, #tpu.memory_space<vmem>>
        %dma_start3A_125 = tpu.memref_squeeze %dma_start3A_124 : memref<1x128xi32, #tpu.memory_space<vmem>> -> memref<128xi32, #tpu.memory_space<vmem>>
        %dma_start3A_126 = arith.constant 0 : i32
        %dma_start3A_127 = arith.constant 0 : i32
        %dma_start3A_128 = tpu.memref_slice %arg4[%dma_start3A_126, %dma_start3A_127] : memref<10000x128xf32, #tpu.memory_space<hbm>> -> memref<10000x128xf32, #tpu.memory_space<hbm>>
        tpu.enqueue_indirect_dma source(%dma_start3A_128 : memref<10000x128xf32, #tpu.memory_space<hbm>>) target(%arg15 : memref<128x128xf32, #tpu.memory_space<vmem>>) offsets(%dma_start3A_125 : memref<128xi32, #tpu.memory_space<vmem>>) semaphore(%arg18 : memref<!tpu.dma_semaphore, #tpu.memory_space<semaphore_mem>>)
      } else {
      }
      %dma_wait3A_110 = arith.constant 0 : i32
      %dma_wait3A_111 = tpu.memref_slice %arg13[%add3A_86, %dma_wait3A_110] : memref<40x128xi32, #tpu.memory_space<vmem>> -> memref<1x128xi32, #tpu.memory_space<vmem>>
      %dma_wait3A_112 = tpu.memref_squeeze %dma_wait3A_111 : memref<1x128xi32, #tpu.memory_space<vmem>> -> memref<128xi32, #tpu.memory_space<vmem>>
      %dma_wait3A_113 = arith.constant 0 : i32
      %dma_wait3A_114 = arith.constant 0 : i32
      %dma_wait3A_115 = tpu.memref_slice %arg4[%dma_wait3A_113, %dma_wait3A_114] : memref<10000x128xf32, #tpu.memory_space<hbm>> -> memref<10000x128xf32, #tpu.memory_space<hbm>>
      tpu.wait_indirect_dma semaphore(%arg19 : memref<!tpu.dma_semaphore, #tpu.memory_space<semaphore_mem>>) src(%dma_wait3A_115 : memref<10000x128xf32, #tpu.memory_space<hbm>>) dst(%arg16 : memref<128x128xf32, #tpu.memory_space<vmem>>)
      "tpu.region"() ({
        %run_scoped3A = tpu.sem_alloc : memref<!tpu.dma_semaphore, #tpu.memory_space<semaphore_mem>>
        %dma_start3A_121 = arith.constant 0 : i32
        %dma_start3A_122 = tpu.memref_slice %arg14[%add3A_86, %dma_start3A_121] : memref<40x128xi32, #tpu.memory_space<vmem>> -> memref<1x128xi32, #tpu.memory_space<vmem>>
        %dma_start3A_123 = tpu.memref_squeeze %dma_start3A_122 : memref<1x128xi32, #tpu.memory_space<vmem>> -> memref<128xi32, #tpu.memory_space<vmem>>
        %dma_start3A_124 = arith.constant 0 : i32
        %dma_start3A_125 = arith.constant 0 : i32
        %dma_start3A_126 = tpu.memref_slice %arg11[%dma_start3A_124, %dma_start3A_125] : memref<10240x128xf32, #tpu.memory_space<vmem_shared>> -> memref<10240x128xf32, #tpu.memory_space<vmem_shared>>
        tpu.enqueue_indirect_dma source(%arg16 : memref<128x128xf32, #tpu.memory_space<vmem>>) target(%dma_start3A_126 : memref<10240x128xf32, #tpu.memory_space<vmem_shared>>) offsets(%dma_start3A_123 : memref<128xi32, #tpu.memory_space<vmem>>) semaphore(%run_scoped3A : memref<!tpu.dma_semaphore, #tpu.memory_space<semaphore_mem>>) {add = true}
        %dma_wait3A_127 = arith.constant 0 : i32
        %dma_wait3A_128 = tpu.memref_slice %arg14[%add3A_86, %dma_wait3A_127] : memref<40x128xi32, #tpu.memory_space<vmem>> -> memref<1x128xi32, #tpu.memory_space<vmem>>
        %dma_wait3A_129 = tpu.memref_squeeze %dma_wait3A_128 : memref<1x128xi32, #tpu.memory_space<vmem>> -> memref<128xi32, #tpu.memory_space<vmem>>
        %dma_wait3A_130 = arith.constant 0 : i32
        %dma_wait3A_131 = arith.constant 0 : i32
        %dma_wait3A_132 = tpu.memref_slice %arg11[%dma_wait3A_130, %dma_wait3A_131] : memref<10240x128xf32, #tpu.memory_space<vmem_shared>> -> memref<10240x128xf32, #tpu.memory_space<vmem_shared>>
        tpu.wait_indirect_dma semaphore(%run_scoped3A : memref<!tpu.dma_semaphore, #tpu.memory_space<semaphore_mem>>) src(%arg16 : memref<128x128xf32, #tpu.memory_space<vmem>>) dst(%dma_wait3A_132 : memref<10240x128xf32, #tpu.memory_space<vmem_shared>>)
        tpu.yield
      }) : () -> ()
      %dma_start3A_116 = arith.constant 0 : i32
      %dma_start3A_117 = tpu.memref_slice %arg14[%add3A_86, %dma_start3A_116] : memref<40x128xi32, #tpu.memory_space<vmem>> -> memref<1x128xi32, #tpu.memory_space<vmem>>
      %dma_start3A_118 = tpu.memref_squeeze %dma_start3A_117 : memref<1x128xi32, #tpu.memory_space<vmem>> -> memref<128xi32, #tpu.memory_space<vmem>>
      %dma_start3A_119 = arith.constant 0 : i32
      %dma_start3A_120 = tpu.memref_slice %arg12[%dma_start3A_119] : memref<10240xf32, #tpu.memory_space<vmem_shared>> -> memref<10240xf32, #tpu.memory_space<vmem_shared>>
      tpu.enqueue_indirect_dma source(%arg17 : memref<128xf32, #tpu.memory_space<vmem>>) target(%dma_start3A_120 : memref<10240xf32, #tpu.memory_space<vmem_shared>>) offsets(%dma_start3A_118 : memref<128xi32, #tpu.memory_space<vmem>>) semaphore(%arg20 : memref<!tpu.dma_semaphore, #tpu.memory_space<semaphore_mem>>) {add = true}
    }
    %scan3A_52 = arith.constant 20 : i32
    %scan3A_53 = arith.constant 0 : i32
    %scan3A_54 = arith.constant 40 : i32
    %scan3A_55 = arith.addi %scan3A_53, %scan3A_54 : i32
    %scan3A_56 = arith.constant 1 : i32
    scf.for %scan3A_80 = %scan3A_53 to %scan3A_55 step %scan3A_56  : i32 {
      %mul3A_81 = arith.constant 1 : i32
      %mul3A_82 = arith.muli %scan3A_80, %mul3A_81 : i32
      %add3A_83 = arith.constant 0 : i32
      %add3A_84 = arith.addi %add3A_83, %mul3A_82 : i32
      %dma_wait3A_85 = arith.constant 0 : i32
      %dma_wait3A_86 = arith.constant 0 : i32
      %dma_wait3A_87 = tpu.memref_slice %arg14[%dma_wait3A_85, %dma_wait3A_86] : memref<40x128xi32, #tpu.memory_space<vmem>> -> memref<1x128xi32, #tpu.memory_space<vmem>>
      %dma_wait3A_88 = tpu.memref_squeeze %dma_wait3A_87 : memref<1x128xi32, #tpu.memory_space<vmem>> -> memref<128xi32, #tpu.memory_space<vmem>>
      %dma_wait3A_89 = arith.constant 0 : i32
      %dma_wait3A_90 = tpu.memref_slice %arg12[%dma_wait3A_89] : memref<10240xf32, #tpu.memory_space<vmem_shared>> -> memref<10240xf32, #tpu.memory_space<vmem_shared>>
      tpu.wait_indirect_dma semaphore(%arg20 : memref<!tpu.dma_semaphore, #tpu.memory_space<semaphore_mem>>) src(%arg17 : memref<128xf32, #tpu.memory_space<vmem>>) dst(%dma_wait3A_90 : memref<10240xf32, #tpu.memory_space<vmem_shared>>)
    }
    %scan3A_57 = arith.constant 40 : i32
    %barrier3A_58 = arith.constant 0 : index
    tpu.barrier barrier_id(%barrier3A_58)
    %mul3A_59 = arith.constant 640 : i32
    %mul3A_60 = arith.muli %arg1, %mul3A_59 : i32
    %mul3A_61 = arith.constant 640 : i32
    %mul3A_62 = arith.muli %arg1, %mul3A_61 : i32
    %dma_start3A_63 = arith.constant 0 : i32
    %dma_start3A_64 = tpu.memref_slice %arg8[%arg0, %mul3A_62, %dma_start3A_63] : memref<2x10240x128xf32, #tpu.memory_space<hbm>> -> memref<1x640x128xf32, #tpu.memory_space<hbm>>
    %dma_start3A_65 = tpu.memref_squeeze %dma_start3A_64 : memref<1x640x128xf32, #tpu.memory_space<hbm>> -> memref<640x128xf32, #tpu.memory_space<hbm>>
    %dma_start3A_66 = arith.constant 0 : i32
    %dma_start3A_67 = tpu.memref_slice %arg11[%mul3A_60, %dma_start3A_66] : memref<10240x128xf32, #tpu.memory_space<vmem_shared>> -> memref<640x128xf32, #tpu.memory_space<vmem_shared>>
    tpu.enqueue_dma source(%dma_start3A_67 : memref<640x128xf32, #tpu.memory_space<vmem_shared>>) target(%dma_start3A_65 : memref<640x128xf32, #tpu.memory_space<hbm>>) target_semaphore(%arg18 : memref<!tpu.dma_semaphore, #tpu.memory_space<semaphore_mem>>)
    %eq3A = arith.constant 0 : i32
    %eq3A_68 = arith.cmpi eq, %arg0, %eq3A : i32
    %convert_element_type3A = arith.extui %eq3A_68 : i1 to i32
    %cond3A = arith.constant 0 : i32
    %cond3A_69 = arith.cmpi ne, %convert_element_type3A, %cond3A : i32
    scf.if %cond3A_69 {
      %mul3A_80 = arith.constant 640 : i32
      %mul3A_81 = arith.muli %arg1, %mul3A_80 : i32
      %mul3A_82 = arith.constant 640 : i32
      %mul3A_83 = arith.muli %arg1, %mul3A_82 : i32
      "tpu.region"() ({
        %run_scoped3A = tpu.sem_alloc : memref<!tpu.dma_semaphore, #tpu.memory_space<semaphore_mem>>
        %dma_start3A_84 = tpu.memref_slice %arg9[%mul3A_83] : memref<10240xf32, #tpu.memory_space<hbm>> -> memref<640xf32, #tpu.memory_space<hbm>>
        %dma_start3A_85 = tpu.memref_slice %arg12[%mul3A_81] : memref<10240xf32, #tpu.memory_space<vmem_shared>> -> memref<640xf32, #tpu.memory_space<vmem_shared>>
        tpu.enqueue_dma source(%dma_start3A_85 : memref<640xf32, #tpu.memory_space<vmem_shared>>) target(%dma_start3A_84 : memref<640xf32, #tpu.memory_space<hbm>>) target_semaphore(%run_scoped3A : memref<!tpu.dma_semaphore, #tpu.memory_space<semaphore_mem>>)
        %dma_wait3A_86 = tpu.memref_slice %arg9[%mul3A_83] : memref<10240xf32, #tpu.memory_space<hbm>> -> memref<640xf32, #tpu.memory_space<hbm>>
        %dma_wait3A_87 = tpu.memref_slice %arg12[%mul3A_81] : memref<10240xf32, #tpu.memory_space<vmem_shared>> -> memref<640xf32, #tpu.memory_space<vmem_shared>>
        tpu.wait_dma2 semaphore(%run_scoped3A : memref<!tpu.dma_semaphore, #tpu.memory_space<semaphore_mem>>) src(%dma_wait3A_87 : memref<640xf32, #tpu.memory_space<vmem_shared>>) dst(%dma_wait3A_86 : memref<640xf32, #tpu.memory_space<hbm>>)
        tpu.yield
      }) : () -> ()
    } else {
    }
    %eq3A_70 = arith.constant 1 : i32
    %eq3A_71 = arith.cmpi eq, %arg0, %eq3A_70 : i32
    %convert_element_type3A_72 = arith.extui %eq3A_71 : i1 to i32
    %cond3A_73 = arith.constant 0 : i32
    %cond3A_74 = arith.cmpi ne, %convert_element_type3A_72, %cond3A_73 : i32
    scf.if %cond3A_74 {
      %mul3A_80 = arith.constant 640 : i32
      %mul3A_81 = arith.muli %arg1, %mul3A_80 : i32
      %mul3A_82 = arith.constant 640 : i32
      %mul3A_83 = arith.muli %arg1, %mul3A_82 : i32
      "tpu.region"() ({
        %run_scoped3A = tpu.sem_alloc : memref<!tpu.dma_semaphore, #tpu.memory_space<semaphore_mem>>
        %dma_start3A_84 = tpu.memref_slice %arg10[%mul3A_83] : memref<10240xf32, #tpu.memory_space<hbm>> -> memref<640xf32, #tpu.memory_space<hbm>>
        %dma_start3A_85 = tpu.memref_slice %arg12[%mul3A_81] : memref<10240xf32, #tpu.memory_space<vmem_shared>> -> memref<640xf32, #tpu.memory_space<vmem_shared>>
        tpu.enqueue_dma source(%dma_start3A_85 : memref<640xf32, #tpu.memory_space<vmem_shared>>) target(%dma_start3A_84 : memref<640xf32, #tpu.memory_space<hbm>>) target_semaphore(%run_scoped3A : memref<!tpu.dma_semaphore, #tpu.memory_space<semaphore_mem>>)
        %dma_wait3A_86 = tpu.memref_slice %arg10[%mul3A_83] : memref<10240xf32, #tpu.memory_space<hbm>> -> memref<640xf32, #tpu.memory_space<hbm>>
        %dma_wait3A_87 = tpu.memref_slice %arg12[%mul3A_81] : memref<10240xf32, #tpu.memory_space<vmem_shared>> -> memref<640xf32, #tpu.memory_space<vmem_shared>>
        tpu.wait_dma2 semaphore(%run_scoped3A : memref<!tpu.dma_semaphore, #tpu.memory_space<semaphore_mem>>) src(%dma_wait3A_87 : memref<640xf32, #tpu.memory_space<vmem_shared>>) dst(%dma_wait3A_86 : memref<640xf32, #tpu.memory_space<hbm>>)
        tpu.yield
      }) : () -> ()
    } else {
    }
    %dma_wait3A_75 = arith.constant 0 : i32
    %dma_wait3A_76 = tpu.memref_slice %arg8[%arg0, %mul3A_62, %dma_wait3A_75] : memref<2x10240x128xf32, #tpu.memory_space<hbm>> -> memref<1x640x128xf32, #tpu.memory_space<hbm>>
    %dma_wait3A_77 = tpu.memref_squeeze %dma_wait3A_76 : memref<1x640x128xf32, #tpu.memory_space<hbm>> -> memref<640x128xf32, #tpu.memory_space<hbm>>
    %dma_wait3A_78 = arith.constant 0 : i32
    %dma_wait3A_79 = tpu.memref_slice %arg11[%mul3A_60, %dma_wait3A_78] : memref<10240x128xf32, #tpu.memory_space<vmem_shared>> -> memref<640x128xf32, #tpu.memory_space<vmem_shared>>
    tpu.wait_dma2 semaphore(%arg18 : memref<!tpu.dma_semaphore, #tpu.memory_space<semaphore_mem>>) src(%dma_wait3A_79 : memref<640x128xf32, #tpu.memory_space<vmem_shared>>) dst(%dma_wait3A_77 : memref<640x128xf32, #tpu.memory_space<hbm>>)
    return
  }
}

module attributes {stable_mosaic.version = 14 : i64} {
  func.func @_head_body(%arg0: i32, %arg1: memref<1000x128xf32, #tpu.memory_space<vmem>>, %arg2: memref<2x1000x128xf32, #tpu.memory_space<vmem>>, %arg3: memref<1000x1xf32, #tpu.memory_space<vmem>>, %arg4: memref<1000x1xf32, #tpu.memory_space<vmem>>, %arg5: memref<128x128xf32, #tpu.memory_space<vmem>>, %arg6: memref<1x128xf32, #tpu.memory_space<vmem>>, %arg7: memref<128x128xf32, #tpu.memory_space<vmem>>, %arg8: memref<128x128xf32, #tpu.memory_space<vmem>>, %arg9: memref<1x128xf32, #tpu.memory_space<vmem>>, %arg10: memref<64x128xf32, #tpu.memory_space<vmem>>, %arg11: memref<1x64xf32, #tpu.memory_space<vmem>>, %arg12: memref<1x64xf32, #tpu.memory_space<vmem>>, %arg13: memref<1x128xf32, #tpu.memory_space<vmem>>) attributes {dimension_semantics = [#tpu.dimension_semantics<arbitrary>], iteration_bounds = array<i64: 10>, scalar_prefetch = 0 : i64, scratch_operands = 1 : i64, tpu.core_type = #tpu.core_type<tc>, window_params = [{transform_indices = @transform_0, window_bounds = array<i64: 1000, 128>}, {transform_indices = @transform_1, window_bounds = array<i64: 2, 1000, 128>}, {transform_indices = @transform_2, window_bounds = array<i64: 1000, 1>}, {transform_indices = @transform_3, window_bounds = array<i64: 1000, 1>}, {pipeline_mode = #tpu.pipeline_mode<synchronous>, transform_indices = @transform_4, window_bounds = array<i64: 128, 128>}, {pipeline_mode = #tpu.pipeline_mode<synchronous>, transform_indices = @transform_5, window_bounds = array<i64: 1, 128>}, {pipeline_mode = #tpu.pipeline_mode<synchronous>, transform_indices = @transform_6, window_bounds = array<i64: 128, 128>}, {pipeline_mode = #tpu.pipeline_mode<synchronous>, transform_indices = @transform_7, window_bounds = array<i64: 128, 128>}, {pipeline_mode = #tpu.pipeline_mode<synchronous>, transform_indices = @transform_8, window_bounds = array<i64: 1, 128>}, {pipeline_mode = #tpu.pipeline_mode<synchronous>, transform_indices = @transform_9, window_bounds = array<i64: 64, 128>}, {pipeline_mode = #tpu.pipeline_mode<synchronous>, transform_indices = @transform_10, window_bounds = array<i64: 1, 64>}, {pipeline_mode = #tpu.pipeline_mode<synchronous>, transform_indices = @transform_11, window_bounds = array<i64: 1, 64>}]} {
    %eq3A = arith.constant 0 : i32
    %eq3A_0 = arith.cmpi eq, %arg0, %eq3A : i32
    %convert_element_type3A = arith.extui %eq3A_0 : i1 to i32
    %cond3A = arith.constant 0 : i32
    %cond3A_1 = arith.cmpi ne, %convert_element_type3A, %cond3A : i32
    scf.if %cond3A_1 {
      %broadcast_in_dim3A_54 = arith.constant 0.000000e+00 : f32
      %broadcast_in_dim3A_55 = vector.broadcast %broadcast_in_dim3A_54 : f32 to vector<1x128xf32>
      %swap3A_56 = arith.constant 0 : index
      %swap3A_57 = arith.constant 0 : index
      %swap3A_58 = vector.load %arg13[%swap3A_56, %swap3A_57] : memref<1x128xf32, #tpu.memory_space<vmem>>, vector<1x128xf32>
      tpu.vector_store %arg13[%swap3A_56, %swap3A_57], %broadcast_in_dim3A_55 {strides = array<i32>} : memref<1x128xf32, #tpu.memory_space<vmem>>, vector<1x128xf32>,
    } else {
    }
    %get3A = arith.constant 0 : index
    %get3A_2 = arith.constant 0 : index
    %get3A_3 = arith.constant 0 : index
    %get3A_4 = vector.load %arg2[%get3A, %get3A_2, %get3A_3] : memref<2x1000x128xf32, #tpu.memory_space<vmem>>, vector<1x1000x128xf32>
    %get3A_5 = vector.shape_cast %get3A_4 : vector<1x1000x128xf32> to vector<1000x128xf32>
    %get3A_6 = arith.constant 1 : index
    %get3A_7 = arith.constant 0 : index
    %get3A_8 = arith.constant 0 : index
    %get3A_9 = vector.load %arg2[%get3A_6, %get3A_7, %get3A_8] : memref<2x1000x128xf32, #tpu.memory_space<vmem>>, vector<1x1000x128xf32>
    %get3A_10 = vector.shape_cast %get3A_9 : vector<1x1000x128xf32> to vector<1000x128xf32>
    %add3A = arith.addf %get3A_5, %get3A_10 : vector<1000x128xf32>
    %get3A_11 = arith.constant 0 : index
    %get3A_12 = arith.constant 0 : index
    %get3A_13 = vector.load %arg3[%get3A_11, %get3A_12] : memref<1000x1xf32, #tpu.memory_space<vmem>>, vector<1000x1xf32>
    %get3A_14 = arith.constant 0 : index
    %get3A_15 = arith.constant 0 : index
    %get3A_16 = vector.load %arg4[%get3A_14, %get3A_15] : memref<1000x1xf32, #tpu.memory_space<vmem>>, vector<1000x1xf32>
    %add3A_17 = arith.addf %get3A_13, %get3A_16 : vector<1000x1xf32>
    %max3A = arith.constant 1.000000e+00 : f32
    %max3A_18 = vector.broadcast %max3A : f32 to vector<1000x1xf32>
    %max3A_19 = arith.maximumf %add3A_17, %max3A_18 : vector<1000x1xf32>
    %div3A = vector.broadcast %max3A_19 : vector<1000x1xf32> to vector<1000x128xf32>
    %div3A_20 = arith.divf %add3A, %div3A : vector<1000x128xf32>
    %get3A_21 = arith.constant 0 : index
    %get3A_22 = arith.constant 0 : index
    %get3A_23 = vector.load %arg5[%get3A_21, %get3A_22] : memref<128x128xf32, #tpu.memory_space<vmem>>, vector<128x128xf32>
    %dot_general3A = arith.constant dense<0.000000e+00> : vector<1000x128xf32>
    %dot_general3A_24 = tpu.matmul %div3A_20, %get3A_23, %dot_general3A {dimension_numbers = #tpu.dot_dimension_numbers<[1], [1], [0], [0], [0, 0, 1, 0], [], []>, transpose_lhs_hint = false} : vector<1000x128xf32>, vector<128x128xf32>, vector<1000x128xf32> -> vector<1000x128xf32>
    %get3A_25 = arith.constant 0 : index
    %get3A_26 = arith.constant 0 : index
    %get3A_27 = vector.load %arg6[%get3A_25, %get3A_26] : memref<1x128xf32, #tpu.memory_space<vmem>>, vector<1x128xf32>
    %add3A_28 = vector.broadcast %get3A_27 : vector<1x128xf32> to vector<1000x128xf32>
    %add3A_29 = arith.addf %dot_general3A_24, %add3A_28 : vector<1000x128xf32>
    %get3A_30 = arith.constant 0 : index
    %get3A_31 = arith.constant 0 : index
    %get3A_32 = vector.load %arg1[%get3A_30, %get3A_31] : memref<1000x128xf32, #tpu.memory_space<vmem>>, vector<1000x128xf32>
    %get3A_33 = arith.constant 0 : index
    %get3A_34 = arith.constant 0 : index
    %get3A_35 = vector.load %arg7[%get3A_33, %get3A_34] : memref<128x128xf32, #tpu.memory_space<vmem>>, vector<128x128xf32>
    %dot_general3A_36 = arith.constant dense<0.000000e+00> : vector<1000x128xf32>
    %dot_general3A_37 = tpu.matmul %get3A_32, %get3A_35, %dot_general3A_36 {dimension_numbers = #tpu.dot_dimension_numbers<[1], [1], [0], [0], [0, 0, 1, 0], [], []>, transpose_lhs_hint = false} : vector<1000x128xf32>, vector<128x128xf32>, vector<1000x128xf32> -> vector<1000x128xf32>
    %add3A_38 = arith.addf %add3A_29, %dot_general3A_37 : vector<1000x128xf32>
    %max3A_39 = arith.constant 0.000000e+00 : f32
    %max3A_40 = vector.broadcast %max3A_39 : f32 to vector<1000x128xf32>
    %max3A_41 = arith.maximumf %add3A_38, %max3A_40 : vector<1000x128xf32>
    %get3A_42 = arith.constant 0 : index
    %get3A_43 = arith.constant 0 : index
    %get3A_44 = vector.load %arg13[%get3A_42, %get3A_43] : memref<1x128xf32, #tpu.memory_space<vmem>>, vector<1x128xf32>
    %reduce_sum3A = arith.constant dense<0.000000e+00> : vector<128xf32>
    %reduce_sum3A_45 = vector.multi_reduction <add>, %max3A_41, %reduce_sum3A [0] : vector<1000x128xf32> to vector<128xf32>
    %broadcast_in_dim3A = vector.shape_cast %reduce_sum3A_45 : vector<128xf32> to vector<1x128xf32>
    %add3A_46 = arith.addf %get3A_44, %broadcast_in_dim3A : vector<1x128xf32>
    %swap3A = arith.constant 0 : index
    %swap3A_47 = arith.constant 0 : index
    %swap3A_48 = vector.load %arg13[%swap3A, %swap3A_47] : memref<1x128xf32, #tpu.memory_space<vmem>>, vector<1x128xf32>
    tpu.vector_store %arg13[%swap3A, %swap3A_47], %add3A_46 {strides = array<i32>} : memref<1x128xf32, #tpu.memory_space<vmem>>, vector<1x128xf32>,
    %eq3A_49 = arith.constant 9 : i32
    %eq3A_50 = arith.cmpi eq, %arg0, %eq3A_49 : i32
    %convert_element_type3A_51 = arith.extui %eq3A_50 : i1 to i32
    %cond3A_52 = arith.constant 0 : i32
    %cond3A_53 = arith.cmpi ne, %convert_element_type3A_51, %cond3A_52 : i32
    scf.if %cond3A_53 {
      %get3A_54 = arith.constant 0 : index
      %get3A_55 = arith.constant 0 : index
      %get3A_56 = vector.load %arg13[%get3A_54, %get3A_55] : memref<1x128xf32, #tpu.memory_space<vmem>>, vector<1x128xf32>
      %mul3A = arith.constant 9.99999974E-5 : f32
      %mul3A_57 = vector.broadcast %mul3A : f32 to vector<1x128xf32>
      %mul3A_58 = arith.mulf %get3A_56, %mul3A_57 : vector<1x128xf32>
      %get3A_59 = arith.constant 0 : index
      %get3A_60 = arith.constant 0 : index
      %get3A_61 = vector.load %arg8[%get3A_59, %get3A_60] : memref<128x128xf32, #tpu.memory_space<vmem>>, vector<128x128xf32>
      %dot_general3A_62 = arith.constant dense<0.000000e+00> : vector<1x128xf32>
      %dot_general3A_63 = tpu.matmul %mul3A_58, %get3A_61, %dot_general3A_62 {dimension_numbers = #tpu.dot_dimension_numbers<[1], [1], [0], [0], [0, 0, 1, 0], [], []>, transpose_lhs_hint = false} : vector<1x128xf32>, vector<128x128xf32>, vector<1x128xf32> -> vector<1x128xf32>
      %get3A_64 = arith.constant 0 : index
      %get3A_65 = arith.constant 0 : index
      %get3A_66 = vector.load %arg9[%get3A_64, %get3A_65] : memref<1x128xf32, #tpu.memory_space<vmem>>, vector<1x128xf32>
      %add3A_67 = arith.addf %dot_general3A_63, %get3A_66 : vector<1x128xf32>
      %max3A_68 = arith.constant 0.000000e+00 : f32
      %max3A_69 = vector.broadcast %max3A_68 : f32 to vector<1x128xf32>
      %max3A_70 = arith.maximumf %add3A_67, %max3A_69 : vector<1x128xf32>
      %get3A_71 = arith.constant 0 : index
      %get3A_72 = arith.constant 0 : index
      %get3A_73 = vector.load %arg10[%get3A_71, %get3A_72] : memref<64x128xf32, #tpu.memory_space<vmem>>, vector<64x128xf32>
      %dot_general3A_74 = arith.constant dense<0.000000e+00> : vector<1x64xf32>
      %dot_general3A_75 = tpu.matmul %max3A_70, %get3A_73, %dot_general3A_74 {dimension_numbers = #tpu.dot_dimension_numbers<[1], [1], [0], [0], [0, 0, 1, 0], [], []>, transpose_lhs_hint = false} : vector<1x128xf32>, vector<64x128xf32>, vector<1x64xf32> -> vector<1x64xf32>
      %get3A_76 = arith.constant 0 : index
      %get3A_77 = arith.constant 0 : index
      %get3A_78 = vector.load %arg11[%get3A_76, %get3A_77] : memref<1x64xf32, #tpu.memory_space<vmem>>, vector<1x64xf32>
      %add3A_79 = arith.addf %dot_general3A_75, %get3A_78 : vector<1x64xf32>
      %reduce_max3A = arith.constant dense<0xFF800000> : vector<1xf32>
      %reduce_max3A_80 = vector.multi_reduction <maximumf>, %add3A_79, %reduce_max3A [1] : vector<1x64xf32> to vector<1xf32>
      %broadcast_in_dim3A_81 = vector.shape_cast %reduce_max3A_80 : vector<1xf32> to vector<1x1xf32>
      %sub3A = vector.broadcast %broadcast_in_dim3A_81 : vector<1x1xf32> to vector<1x64xf32>
      %sub3A_82 = arith.subf %add3A_79, %sub3A : vector<1x64xf32>
      %exp3A = math.exp %sub3A_82 : vector<1x64xf32>
      %reduce_sum3A_83 = arith.constant dense<0.000000e+00> : vector<1xf32>
      %reduce_sum3A_84 = vector.multi_reduction <add>, %exp3A, %reduce_sum3A_83 [1] : vector<1x64xf32> to vector<1xf32>
      %broadcast_in_dim3A_85 = vector.shape_cast %reduce_sum3A_84 : vector<1xf32> to vector<1x1xf32>
      %log3A = math.log %broadcast_in_dim3A_85 : vector<1x1xf32>
      %sub3A_86 = vector.broadcast %log3A : vector<1x1xf32> to vector<1x64xf32>
      %sub3A_87 = arith.subf %sub3A_82, %sub3A_86 : vector<1x64xf32>
      %swap3A_88 = arith.constant 0 : index
      %swap3A_89 = arith.constant 0 : index
      %swap3A_90 = vector.load %arg12[%swap3A_88, %swap3A_89] : memref<1x64xf32, #tpu.memory_space<vmem>>, vector<1x64xf32>
      tpu.vector_store %arg12[%swap3A_88, %swap3A_89], %sub3A_87 {strides = array<i32>} : memref<1x64xf32, #tpu.memory_space<vmem>>, vector<1x64xf32>,
    } else {
    }
    return
  }
  func.func @transform_0(%arg0: i32) -> (i32, i32) {
    %c0_i32 = arith.constant 0 : i32
    %c0_i32_0 = arith.constant 0 : i32
    return %arg0, %c0_i32 : i32, i32
  }
  func.func @transform_1(%arg0: i32) -> (i32, i32, i32) {
    %c0_i32 = arith.constant 0 : i32
    %c0_i32_0 = arith.constant 0 : i32
    %c0_i32_1 = arith.constant 0 : i32
    return %c0_i32, %arg0, %c0_i32_0 : i32, i32, i32
  }
  func.func @transform_2(%arg0: i32) -> (i32, i32) {
    %c0_i32 = arith.constant 0 : i32
    %c0_i32_0 = arith.constant 0 : i32
    return %arg0, %c0_i32 : i32, i32
  }
  func.func @transform_3(%arg0: i32) -> (i32, i32) {
    %c0_i32 = arith.constant 0 : i32
    %c0_i32_0 = arith.constant 0 : i32
    return %arg0, %c0_i32 : i32, i32
  }
  func.func @transform_4(%arg0: i32) -> (i32, i32) {
    %c0_i32 = arith.constant 0 : i32
    %c0_i32_0 = arith.constant 0 : i32
    %c0_i32_1 = arith.constant 0 : i32
    return %c0_i32, %c0_i32_0 : i32, i32
  }
  func.func @transform_5(%arg0: i32) -> (i32, i32) {
    %c0_i32 = arith.constant 0 : i32
    %c0_i32_0 = arith.constant 0 : i32
    %c0_i32_1 = arith.constant 0 : i32
    return %c0_i32, %c0_i32_0 : i32, i32
  }
  func.func @transform_6(%arg0: i32) -> (i32, i32) {
    %c0_i32 = arith.constant 0 : i32
    %c0_i32_0 = arith.constant 0 : i32
    %c0_i32_1 = arith.constant 0 : i32
    return %c0_i32, %c0_i32_0 : i32, i32
  }
  func.func @transform_7(%arg0: i32) -> (i32, i32) {
    %c0_i32 = arith.constant 0 : i32
    %c0_i32_0 = arith.constant 0 : i32
    %c0_i32_1 = arith.constant 0 : i32
    return %c0_i32, %c0_i32_0 : i32, i32
  }
  func.func @transform_8(%arg0: i32) -> (i32, i32) {
    %c0_i32 = arith.constant 0 : i32
    %c0_i32_0 = arith.constant 0 : i32
    %c0_i32_1 = arith.constant 0 : i32
    return %c0_i32, %c0_i32_0 : i32, i32
  }
  func.func @transform_9(%arg0: i32) -> (i32, i32) {
    %c0_i32 = arith.constant 0 : i32
    %c0_i32_0 = arith.constant 0 : i32
    %c0_i32_1 = arith.constant 0 : i32
    return %c0_i32, %c0_i32_0 : i32, i32
  }
  func.func @transform_10(%arg0: i32) -> (i32, i32) {
    %c0_i32 = arith.constant 0 : i32
    %c0_i32_0 = arith.constant 0 : i32
    %c0_i32_1 = arith.constant 0 : i32
    return %c0_i32, %c0_i32_0 : i32, i32
  }
  func.func @transform_11(%arg0: i32) -> (i32, i32) {
    %c0_i32 = arith.constant 0 : i32
    %c0_i32_0 = arith.constant 0 : i32
    %c0_i32_1 = arith.constant 0 : i32
    return %c0_i32, %c0_i32_0 : i32, i32
  }
}

</mosaic_0001>

<sc_bundles>
// kernel: kernel.4.cloned.1.call-start
scs
__scs_entry_jumppad:
0x0: {  	(pc) =	sbr.rel $0x88, $3  }
0x1: {  	(tag) =	ssettag $0x0;
	lr =	simm.s32 $0x1  }
0x2: {  	[smem:$0x3F98] =	sst lr;
	_ =	strace $0xD0000000  }
0x3: {  	_ = 	snop  }
0x4: {  	_ = 	snop  }
0x5: {  	_ = 	snop  }
0x6: {  	_ = 	snop  }
0x7: {  	_ = 	snop  }
__scs_overlays_trampoline_lowered:
0x8: {  	[smem:$0x3FA7] =	sst s0  }
0x9: {  	[smem:$0x3FA8] =	sst s1  }
0xa: {  	[smem:$0x3FA9] =	sst s2  }
0xb: {  	[smem:$0x3FAA] =	sst s3  }
0xc: {  	[smem:$0x3FAB] =	sst s4  }
0xd: {  	[smem:$0x3FAC] =	sst s5  }
0xe: {  	[smem:$0x3FAD] =	sst s6  }
0xf: {  	[smem:$0x3FAE] =	sst s7  }
0x10: {  	[smem:$0x3FAF] =	sst s8  }
0x11: {  	[smem:$0x3FB0] =	sst s9;
	s0 =	simm.s32 @!p0 $0x0  }
0x12: {  	s1 =	sld [smem:$0x3F96];
	s0 =	simm.s32 @p0 $0x1  }
0x13: {  	[smem:$0x3FB1] =	sst s0;
	s0 =	simm.s32 @!p1 $0x0  }
0x14: {  	s2 =	sld [smem:$0x3F95];
	s0 =	simm.s32 @p1 $0x1  }
0x15: {  	[smem:$0x3FB2] =	sst s0;
	s0 =	simm.s32 @!p2 $0x0  }
0x16: {  	s3 =	sld [smem:$0x3FDB];
	s0 =	simm.s32 @p2 $0x1  }
0x17: {  	s4 =	simm.s32 $0x1BF5;
	[smem:$0x3FB4] =	sst s0  }
0x18: {  	s0 =	sld [smem:$0x3F97];
	_ =	swait.ge [sflag:s4], $0x0  }
0x19: {  	s7 =	sld [smem:$0x3F98]  }
0x1a: {  	s8 =	sadd.s32 $0xFFFFE003, lr  }
0x1b: {  	s9 =	sadd.s32 $0xFFFFFEF7, lr;
	s5 =	simm.s32 $0xFFFFFFFF;
	p2 =	slt.u32 s8, $0xFFFFF086  }
0x1c: {  	p1 =	slt.u32 s9, $0xF7A;
	s5 =	simm.s32 @!p2 $0x0  }
0x1d: {  	s5 =	simm.s32 @p1 $0x1;
	p0 =	seq.s32 s7, s2  }
0x1e: {  	s7 =	smul.u32 @!p0 $0xF7A, s2;
	p2 =	seq.s32 @!p0 s5, $0x0  }
0x1f: {  	s9 =	smul.u32 $0xF7A, s1;
	s8 =	simm.s32 @!p0 $0x1BF5;
	p2 =	por !p2, p0  }
0x20: {  	[sflag:s8] =	ssyncset.s32 @!p0 $0xFFFFF086;
	s6 =	sadd.s32 @!p0 s3, s7;
	s7 =	simm.s32 @!p0 $0x108  }
0x21: {  	s3 =	sadd.s32 s3, s9;
	s6 =	sadd.s32 @!p0 $0x88, s6;
	s7 =	simm.s32 @p2 $0x1082  }
0x22: {  	[simem:s7], [sflag:s8] =	dma.local @!p0 [hbm:s6], $0xF7A  }
0x23: {  	s9 =	sor.u32 $0xD0000000, s2;
	s6 =	simm.s32 $0x108;
	_ =	swait.ge @!p0 [sflag:s8], $0x0  }
0x24: {  	s3 =	sadd.s32 $0x88, s3;
	s6 =	simm.s32 @!p1 $0x1082;
	[sflag:s4] =	ssyncset.s32 $0xFFFFF086  }
0x25: {  	[simem:s6], [sflag:s4] =	dma.local [hbm:s3], $0xF7A  }
0x26: {  	[smem:$0x3F98] =	sst s1;
	(tag) =	ssettag s2;
	_ =	strace s9  }
0x27: {  	s1 =	sld [smem:$0x3FA8]  }
0x28: {  	s2 =	sld [smem:$0x3FA9]  }
0x29: {  	s4 =	sld [smem:$0x3FAB]  }
0x2a: {  	p0 =	seq.s32 s5, $0x0;
	s5 =	sld [smem:$0x3FAC]  }
0x2b: {  	s6 =	sld [smem:$0x3FAD]  }
0x2c: {  	s7 =	sld [smem:$0x3FAE]  }
0x2d: {  	s3 =	simm.s32 $0x108;
	s8 =	sld [smem:$0x3FAF]  }
0x2e: {  	s3 =	simm.s32 @!p0 $0x1082;
	s9 =	sld [smem:$0x3FB0]  }
0x2f: {  	lr =	sadd.s32 s0, s3;
	s0 =	sld [smem:$0x3FA7]  }
0x30: {  	s3 =	sld [smem:$0x3FAA]  }
0x31: {  	[smem:$0x3FB3] =	sst s10  }
0x32: {  	s10 =	sld [smem:$0x3FB1];
	_ =	sdelay $0x3  }
0x33: {  	p0 =	seq.s32 s10, $0x1;
	s10 =	sld [smem:$0x3FB3];
	_ =	sdelay $0x3  }
0x34: {  	[smem:$0x3FB3] =	sst s10  }
0x35: {  	s10 =	sld [smem:$0x3FB2];
	_ =	sdelay $0x3  }
0x36: {  	p1 =	seq.s32 s10, $0x1;
	s10 =	sld [smem:$0x3FB3];
	_ =	sdelay $0x3  }
0x37: {  	[smem:$0x3FB3] =	sst s10  }
0x38: {  	s10 =	sld [smem:$0x3FB4]  }
0x39: {  	_ = 	snop;
	(pc) =	sbr.ind lr, $3  }
0x3a: {  	_ = 	snop  }
0x3b: {  	_ = 	snop  }
0x3c: {  	p2 =	seq.s32 s10, $0x1;
	s10 =	sld [smem:$0x3FB3]  }
0x3d: {  	_ =	shalt  }
0x3e: {  	_ =	shalt  }
0x3f: {  	_ =	shalt  }
0x40: {  	_ =	shalt  }
0x41: {  	_ =	shalt  }
0x42: {  	_ =	shalt  }
0x43: {  	_ =	shalt  }
0x44: {  	_ =	shalt  }
0x45: {  	_ =	shalt  }
0x46: {  	_ =	shalt  }
0x47: {  	_ =	shalt  }
0x48: {  	_ =	shalt  }
0x49: {  	_ =	shalt  }
0x4a: {  	_ =	shalt  }
0x4b: {  	_ =	shalt  }
0x4c: {  	_ =	shalt  }
0x4d: {  	_ =	shalt  }
0x4e: {  	_ =	shalt  }
0x4f: {  	_ =	shalt  }
0x50: {  	_ =	shalt  }
0x51: {  	_ =	shalt  }
0x52: {  	_ =	shalt  }
0x53: {  	_ =	shalt  }
0x54: {  	_ =	shalt  }
0x55: {  	_ =	shalt  }
0x56: {  	_ =	shalt  }
0x57: {  	_ =	shalt  }
0x58: {  	_ =	shalt  }
0x59: {  	_ =	shalt  }
0x5a: {  	_ =	shalt  }
0x5b: {  	_ =	shalt  }
0x5c: {  	_ =	shalt  }
0x5d: {  	_ =	shalt  }
0x5e: {  	_ =	shalt  }
0x5f: {  	_ =	shalt  }
0x60: {  	_ =	shalt  }
0x61: {  	_ =	shalt  }
0x62: {  	_ =	shalt  }
0x63: {  	_ =	shalt  }
0x64: {  	_ =	shalt  }
0x65: {  	_ =	shalt  }
0x66: {  	_ =	shalt  }
0x67: {  	_ =	shalt  }
0x68: {  	_ =	shalt  }
0x69: {  	_ =	shalt  }
0x6a: {  	_ =	shalt  }
0x6b: {  	_ =	shalt  }
0x6c: {  	_ =	shalt  }
0x6d: {  	_ =	shalt  }
0x6e: {  	_ =	shalt  }
0x6f: {  	_ =	shalt  }
0x70: {  	_ =	shalt  }
0x71: {  	_ =	shalt  }
0x72: {  	_ =	shalt  }
0x73: {  	_ =	shalt  }
0x74: {  	_ =	shalt  }
0x75: {  	_ =	shalt  }
0x76: {  	_ =	shalt  }
0x77: {  	_ =	shalt  }
0x78: {  	_ =	shalt  }
0x79: {  	_ =	shalt  }
0x7a: {  	_ =	shalt  }
0x7b: {  	_ =	shalt  }
0x7c: {  	_ =	shalt  }
0x7d: {  	_ =	shalt  }
0x7e: {  	_ =	shalt  }
0x7f: {  	_ =	shalt  }
0x80: {  	_ =	shalt  }
0x81: {  	_ =	shalt  }
0x82: {  	_ =	shalt  }
0x83: {  	_ =	shalt  }
0x84: {  	_ =	shalt  }
0x85: {  	_ =	shalt  }
0x86: {  	_ =	shalt  }
0x87: {  	_ =	shalt  }
.Lfunc_end0:
.L_simem_size_0:
called_computation_lowered:
.L_overlay_start_0:
0x88: {  	s2 =	sld [smem:$0x3FD9]  }
0x89: {  	s3 =	sld [smem:$0x3FFE];
	_ =	sdelay $0x1  }
0x8a: {  	s1 =	srdreg.scid  }
0x8b: {  	s0 =	sand.u32 $0x1, s1  }
0x8c: {  	s17 =	sshll.u32 s0, $0xA;
	s2 =	sadd.s32 s3, s2  }
0x8d: {  	s2 =	sadd.s32 s2, s17  }
0x8e: {  	[smem:$0x3FBF] =	sst s2  }
0x8f: {  	_ = 	snop  }
0x90: {  	s2 =	sld [smem:$0x3FC9]  }
0x91: {  	s18 =	sld [smem:$0x3FD0];
	(tm) =	ssettm $0x1  }
0x92: {  	s4 =	sld [smem:$0x3FFB];
	_ =	sdelay $0x3  }
0x93: {  	_ =	strace s4  }
0x94: {  	s4 =	sld [smem:$0x3FFC];
	_ =	sdelay $0x3  }
0x95: {  	_ =	strace s4  }
0x96: {  	s4 =	sld [smem:$0x3FFD];
	_ =	sdelay $0x3  }
0x97: {  	_ =	strace s4  }
0x98: {  	_ =	strace $0x8FFFFFFF  }
0x99: {  	s19 =	sld [smem:$0x3FDB];
	_ =	sdelay $0x1  }
0x9a: {  	s5 =	simm.s32 $_scs_section_size  }
0x9b: {  	s6 =	simm.s32 $_size__tile_overlayer_lowered;
	s7 =	simm.s32 $_tile_overlayer_lowered  }
0x9c: {  	s22 =	simm.s32 $0x1BFF;
	s21 =	sshll.u32 s7, $0x1;
	s4 =	sadd.s32 s5, s19  }
0x9d: {  	s8 =	simm.s32 $0x0;
	s20 =	sshll.u32 s6, $0x1;
	s6 =	sadd.s32 s21, s4  }
0x9e: {  	[timem:s8], [sflag:s22] =	dma.local [hbm:s6], s20  }
0x9f: {  	_ =	swait.ge [sflag:s22], s20  }
0xa0: {  	s5 =	ssub.s32 $0x0, s20;
	[sflag:s22] =	ssyncset.done $0x0  }
0xa1: {  	[sflag:s22] =	ssyncadd.s32 s5;
	_ =	sdelay $0x1  }
0xa2: {  	s23 =	simm.s32 $0x1B8B  }
0xa3: {  	_ =	swait.ge [sflag:s23], $0x1  }
0xa4: {  	[sflag:s23] =	ssyncset.done $0x0  }
0xa5: {  	s25 =	simm.s32 $0x1B8E;
	s24 =	sld [smem:$0x3FFE];
	[sflag:s23] =	ssyncadd.s32 $0xFFFFFFFF  }
0xa6: {  	s26 =	simm.s32 $execute0_lowered;
	[smem:$0x3FD2] =	sst s25  }
0xa7: {  	s6 =	sshll.u32 s26, $0x1;
	_ =	strace $0x80000046;
	[dreg:$0x1] =	wrdreg $0xFFFFFFFF  }
0xa8: {  	s28 =	simm.s32 $_size_execute0_lowered;
	s4 =	sadd.s32 s4, s6;
	[dreg:$0x0] =	wrdreg $0x0  }
0xa9: {  	s6 =	sshll.u32 s28, $0x1;
	[dreg:$0x2] =	wrdreg s4  }
0xaa: {  	[dreg:$0x3] =	wrdreg s6  }
0xab: {  	[dreg:$0x4] =	wrdreg $0xC0  }
0xac: {  	_ =	task [dreg:s8], $0x5FFFF  }
0xad: {  	[dreg:$0x1] =	wrdreg $0xFFFFFFFF  }
0xae: {  	[dreg:$0x0] =	wrdreg $0x60  }
0xaf: {  	[dreg:$0x2] =	wrdreg s24  }
0xb0: {  	[dreg:$0x3] =	wrdreg s2  }
0xb1: {  	[dreg:$0x4] =	wrdreg s18  }
0xb2: {  	[dreg:$0x5] =	wrdreg $0x0  }
0xb3: {  	[dreg:$0x6] =	wrdreg $0x140000  }
0xb4: {  	[dreg:$0x7] =	wrdreg $0x9  }
0xb5: {  	_ =	task.clear_ibuf [dreg:s8], $0x8FFFF;
	_ =	strace $0x90000046  }
0xb6: {  	s29 =	simm.s32 $0x9;
	_ =	strace $0x80000048  }
0xb7: {  	_ =	swait.ge [sflag:s29], $0x1  }
0xb8: {  	[sflag:s29] =	ssyncadd.s32 $0xFFFFFFFF  }
0xb9: {  	_ =	strace $0x90000048  }
0xba: {  	_ =	sfence  }
0xbb: {  	s30 =	sld [smem:$0x0];
	_ =	sdelay $0x2  }
0xbc: {  	s31 =	sshll.u32 s1, $0xD;
	s1 =	sshrl.u32 s1, $0x2  }
0xbd: {  	s3 =	sand.u32 $0x4000, s31;
	s1 =	sadd.s32 s1, s30  }
0xbe: {  	s0 =	sor.u32 s3, s0;
	s1 =	sshll.u32 s1, $0x11  }
0xbf: {  	s0 =	sor.u32 s1, s0  }
0xc0: {  	s0 =	sadd.s32 $0x8F2B, s0  }
0xc1: {  	[sflag:s0] =	ssyncadd.remote.s32 $0x1  }
0xc2: {  	_ =	sfence.sel $0xFFFF  }
0xc3: {  	[dreg:$0x0] =	wrdreg $0xFFFFFFFF;
	(pc) =	sbr.abs _section_cstart, $3  }
0xc4: {  	[dreg:$0x1] =	wrdreg $0xFFFFFFFF  }
0xc5: {  	_ =	task.clear_ibuf [dreg:s8], $0x2FFFF;
	_ =	strace $0x9FFFFFFF  }
0xc6: {  	(tm) =	ssettm $0x7FFFFFFF  }
0xc7: {  	_ =	shalt  }
tec
execute0_lowered:
.L_overlay_start_1:
0x0: {  	(tag) =	ssettag $0x1  }
0x1: {  	s0 =	rddreg [dreg:$0x0]  }
0x2: {  	s1 =	rddreg [dreg:$0x1]  }
0x3: {  	s3 =	rddreg [dreg:$0x3]  }
0x4: {  	s4 =	rddreg [dreg:$0x4]  }
0x5: {  	s2 =	srdreg.scid;
	s6 =	simm.s32 $0x0;
	s15 =	stileid.u32  }
0x6: {  	s28 =	simm.s32 $0x80;
	s29 =	simm.s32 $0x16A80;
	s30 =	simm.s32 $0x1AA80  }
0x7: {  	s31 =	simm.s32 $0x15600;
	s2 =	sand.u32 $0x1, s2;
	[smem:$0x7FF] =	sst s6  }
0x8: {  	s7 =	smul.u32 $0x14000, s15;
	s8 =	sadd.s32 $0x1A00, s0;
	s11 =	sadd.s32 $0xBA00, s0  }
0x9: {  	s18 =	sadd.s32 $0x15C00, s0;
	s19 =	sadd.s32 $0x15A00, s0;
	s12 =	smul.u32 $0x280, s15  }
0xa: {  	s21 =	smul.u32 $0x50000, s15;
	_ =	strace $0x80000047;
	[dreg:$0x6] =	wrdreg s18  }
0xb: {  	s9 =	sshll.u32 s15, $0x1;
	s5 =	smul.u32 $0x140000, s2;
	[dreg:$0x7] =	wrdreg s19  }
0xc: {  	s20 =	ssub.s32 $0x2, s2;
	s13 =	sor.u32 s2, s9;
	s9 =	sshll.u32 s15, $0x6  }
0xd: {  	p0 =	seq.s32 s2, $0x1;
	s2 =	simm.s32 $0x18A00;
	s14 =	smul.u32 $0x500, s13  }
0xe: {  	s10 =	sshrl.u32 s20, $0x1;
	s22 =	sshrl.u32 s21, $0x2;
	s13 =	smul.u32 $0x2800, s13  }
0xf: {  	s23 =	sadd.s32 s12, s4;
	s2 =	simm.s32 @!p0 $0x18400;
	s26 =	sshrl.u32 s12, $0x3  }
0x10: {  	s21 =	simm.s32 $0x1EA80;
	s5 =	sadd.s32 s7, s5;
	s7 =	ssub.s32 s20, s10  }
0x11: {  	s19 =	sadd.s32 s22, s3;
	s10 =	sor.u32 $0x1C01, s9;
	[dreg:$0x8] =	wrdreg s23  }
0x12: {  	s20 =	sor.u32 $0x1C02, s9;
	s22 =	simm.s32 $0x4;
	s23 =	simm.s32 $0x1  }
0x13: {  	s5 =	sshrl.u32 s5, $0x3;
	s24 =	sadd.s32 s8, s14;
	s14 =	sadd.s32 s11, s14  }
0x14: {  	s13 =	sshrl.u32 s13, $0x3;
	s17 =	smax.u32 s7, $0x1;
	s19 =	sshrl.u32 s19, $0x3  }
0x15: {  	s7 =	simm.s32 $0x0;
	s5 =	sadd.s32 s5, s0;
	[dreg:$0x9] =	wrdreg s24  }
0x16: {  	[dreg:$0xa] =	wrdreg s14;
	s13 =	sadd.s32 $0x280, s13;
	s0 =	sadd.s32 s2, s0  }
0x17: {  	s24 =	simm.s32 $0x2;
	s2 =	simm.s32 $0x3;
	s8 =	sadd.s32 s8, s13  }
0x18: {  	s25 =	sadd.s32 s11, s13;
	s16 =	sadd.s32 $0x19000, s5;
	s18 =	sadd.s32 s0, s26  }
0x19: {  	s26 =	simm.s32 $0x15680;
	s0 =	simm.s32 $0x16980;
	[dreg:$0xb] =	wrdreg s8  }
0x1a: {  	s5 =	simm.s32 $0x16A00;
	[dreg:$0xc] =	wrdreg s25;
	s25 =	simm.s32 $0x14280  }
.LBB2_1:
0x1b: {  	s8 =	rddreg [dreg:$0x6]  }
0x1c: {  	[spmem:s19], [sflag:s10] =	dma.local [hbm:s8], $0x2800  }
0x1d: {  	s8 =	rddreg [dreg:$0x8]  }
0x1e: {  	s11 =	rddreg [dreg:$0x7];
	s8 =	sshrl.u32 s8, $0x3  }
0x1f: {  	[spmem:s8], [sflag:s20] =	dma.local [hbm:s11], $0x50  }
0x20: {  	s11 =	rddreg [dreg:$0x2]  }
0x21: {  	[tilespmem:s21], [sflag:$0x4] =	stream.linear.gather [hbm4b:s11+s6], $0x80, $0x38;
	[tilespmem:$0x1EB00] =	vst v63  }
0x22: {  	_ =	swait.ge [sflag:s22], $0x80  }
0x23: {  	[sflag:s22] =	ssyncset.done $0x0  }
0x24: {  	[sflag:s22] =	ssyncadd.s32 $0xFFFFFF80  }
0x25: {  	_ =	swait.ge [sflag:s23], $0x2800  }
0x26: {  	[sflag:s23] =	ssyncset.done $0x0  }
0x27: {  	[sflag:s23] =	ssyncadd.s32 $0xFFFFD800  }
0x28: {  	_ =	swait.ge [sflag:s24], $0x50  }
0x29: {  	[sflag:s24] =	ssyncset.done $0x0  }
0x2a: {  	[sflag:s24] =	ssyncadd.s32 $0xFFFFFFB0  }
0x2b: {  	[bflag:$0x0] =	sbarrier.arrive $0xFFFF  }
0x2c: {  	s15 =	rddreg [dreg:$0x9]  }
0x2d: {  	[tilespmem:s25], [sflag:$0x4] =	stream.linear.gather [hbm4b:s15+s6], $0x1400, $0x38;
	[tilespmem:$0x1EB00] =	vst v63  }
0x2e: {  	_ =	swait.ge [sflag:s22], $0x1400  }
0x2f: {  	[sflag:s22] =	ssyncset.done $0x0  }
0x30: {  	s12 =	rddreg [dreg:$0xa];
	[sflag:s22] =	ssyncadd.s32 $0xFFFFEC00  }
0x31: {  	[tilespmem:s26], [sflag:$0x4] =	stream.linear.gather [hbm4b:s12+s6], $0x1400, $0x38;
	[tilespmem:$0x1EB00] =	vst v63  }
0x32: {  	_ =	swait.ge [sflag:s22], $0x1400  }
0x33: {  	[sflag:s22] =	ssyncset.done $0x0  }
0x34: {  	[sflag:s22] =	ssyncadd.s32 $0xFFFFEC00  }
0x35: {  	[tilespmem:s29], [sflag:$0x1] =	stream.indirect.gather [hbm4b:s1+s28], $0x80, s25, s28, $0xb8;
	[tilespmem:$0x1EB00] =	vst v63  }
0x36: {  	s13 =	simm.s32 $0x14300  }
0x37: {  	[tilespmem:s30], [sflag:$0x2] =	stream.indirect.gather [hbm4b:s1+s28], $0x80, s13, s28, $0xb8;
	[tilespmem:$0x1EB00] =	vst v63  }
0x38: {  	_ =	swait.ge [sflag:s23], $0x4000  }
0x39: {  	[sflag:s23] =	ssyncset.done $0x0  }
0x3a: {  	s14 =	simm.s32 $0x15680;
	[sflag:s23] =	ssyncadd.s32 $0xFFFFC000  }
0x3b: {  	[spmem:s3] =	stream.indirect.scatter.add.f32 [tilespmem:s29], [sflag:$0x4], $0x80, s14, s28, $0xb8;
	[tilespmem:$0x1EB00] =	vst v63  }
0x3c: {  	_ =	swait.ge [sflag:s22], $0x4000  }
0x3d: {  	[sflag:s22] =	ssyncset.done $0x0  }
0x3e: {  	[sflag:s22] =	ssyncadd.s32 $0xFFFFC000  }
0x3f: {  	[spmem:s4] =	stream.indirect.scatter.add.f32 [tilespmem:s21], [sflag:$0x3], $0x1, s14, s28, $0xb8;
	[tilespmem:$0x1EB00] =	vst v63  }
0x40: {  	s15 =	simm.s32 $0x14380  }
0x41: {  	[tilespmem:s29], [sflag:$0x1] =	stream.indirect.gather [hbm4b:s1+s28], $0x80, s15, s28, $0xb8;
	[tilespmem:$0x1EB00] =	vst v63  }
0x42: {  	_ =	swait.ge [sflag:s24], $0x4000  }
0x43: {  	[sflag:s24] =	ssyncset.done $0x0  }
0x44: {  	s12 =	simm.s32 $0x15700;
	[sflag:s24] =	ssyncadd.s32 $0xFFFFC000  }
0x45: {  	[spmem:s3] =	stream.indirect.scatter.add.f32 [tilespmem:s30], [sflag:$0x4], $0x80, s12, s28, $0xb8;
	[tilespmem:$0x1EB00] =	vst v63  }
0x46: {  	_ =	swait.ge [sflag:s22], $0x4000  }
0x47: {  	[sflag:s22] =	ssyncset.done $0x0  }
0x48: {  	s11 =	simm.s32 $0x100;
	s13 =	simm.s32 $0x800;
	[sflag:s22] =	ssyncadd.s32 $0xFFFFC000  }
.LBB2_2:
0x49: {  	[spmem:s4] =	stream.indirect.scatter.add.f32 [tilespmem:s21], [sflag:$0x3], $0x1, s12, s28, $0xb8;
	[tilespmem:$0x1EB00] =	vst v63  }
0x4a: {  	s12 =	smov.u32 s13  }
0x4b: {  	s15 =	sadd.s32 $0x400, s13;
	s14 =	sshra.s32 s12, $0x2;
	s12 =	sadd.s32 $0x14300, s11  }
0x4c: {  	[tilespmem:s30], [sflag:$0x2] =	stream.indirect.gather [hbm4b:s1+s28], $0x80, s12, s28, $0xb8;
	[tilespmem:$0x1EB00] =	vst v63  }
0x4d: {  	p0 =	sne.s32 s13, $0x4800;
	_ =	swait.ge [sflag:s23], $0x4000  }
0x4e: {  	[sflag:s23] =	ssyncset.done $0x0  }
0x4f: {  	s12 =	sadd.s32 $0x15680, s11;
	[sflag:s23] =	ssyncadd.s32 $0xFFFFC000  }
0x50: {  	[spmem:s3] =	stream.indirect.scatter.add.f32 [tilespmem:s29], [sflag:$0x4], $0x80, s12, s28, $0xb8;
	[tilespmem:$0x1EB00] =	vst v63  }
0x51: {  	_ =	swait.ge [sflag:s22], $0x4000  }
0x52: {  	[sflag:s22] =	ssyncset.done $0x0  }
0x53: {  	[sflag:s22] =	ssyncadd.s32 $0xFFFFC000  }
0x54: {  	[spmem:s4] =	stream.indirect.scatter.add.f32 [tilespmem:s21], [sflag:$0x3], $0x1, s12, s28, $0xb8;
	[tilespmem:$0x1EB00] =	vst v63  }
0x55: {  	s12 =	sadd.s32 $0x14380, s11  }
0x56: {  	[tilespmem:s29], [sflag:$0x1] =	stream.indirect.gather [hbm4b:s1+s28], $0x80, s12, s28, $0xb8;
	[tilespmem:$0x1EB00] =	vst v63  }
0x57: {  	_ =	swait.ge [sflag:s24], $0x4000  }
0x58: {  	[sflag:s24] =	ssyncset.done $0x0  }
.Ltmp0:
0x59: {  	s12 =	sadd.s32 $0x15700, s11;
	[sflag:s24] =	ssyncadd.s32 $0xFFFFC000;
	(pc) =	sbr.rel @p0 .LBB2_2-.Ltmp0, $4  }
0x5a: {  	[spmem:s3] =	stream.indirect.scatter.add.f32 [tilespmem:s30], [sflag:$0x4], $0x80, s12, s28, $0xb8;
	[tilespmem:$0x1EB00] =	vst v63  }
0x5b: {  	s11 =	smov.u32 s14;
	_ =	swait.ge [sflag:s22], $0x4000  }
0x5c: {  	[sflag:s22] =	ssyncset.done $0x0  }
0x5d: {  	s13 =	smov.u32 s15;
	[sflag:s22] =	ssyncadd.s32 $0xFFFFC000  }
0x5e: {  	[spmem:s4] =	stream.indirect.scatter.add.f32 [tilespmem:s21], [sflag:$0x3], $0x1, s12, s28, $0xb8;
	[tilespmem:$0x1EB00] =	vst v63  }
0x5f: {  	s15 =	sadd.s32 $0x14300, s11  }
0x60: {  	[tilespmem:s30], [sflag:$0x2] =	stream.indirect.gather [hbm4b:s1+s28], $0x80, s15, s28, $0xb8;
	[tilespmem:$0x1EB00] =	vst v63  }
0x61: {  	_ =	swait.ge [sflag:s23], $0x4000  }
0x62: {  	[sflag:s23] =	ssyncset.done $0x0  }
0x63: {  	s13 =	sadd.s32 $0x15680, s11;
	[sflag:s23] =	ssyncadd.s32 $0xFFFFC000  }
0x64: {  	[spmem:s3] =	stream.indirect.scatter.add.f32 [tilespmem:s29], [sflag:$0x4], $0x80, s13, s28, $0xb8;
	[tilespmem:$0x1EB00] =	vst v63  }
0x65: {  	_ =	swait.ge [sflag:s22], $0x4000  }
0x66: {  	[sflag:s22] =	ssyncset.done $0x0  }
0x67: {  	[sflag:s22] =	ssyncadd.s32 $0xFFFFC000  }
0x68: {  	[spmem:s4] =	stream.indirect.scatter.add.f32 [tilespmem:s21], [sflag:$0x3], $0x1, s13, s28, $0xb8;
	[tilespmem:$0x1EB00] =	vst v63  }
0x69: {  	s14 =	sadd.s32 $0x14380, s11  }
0x6a: {  	[tilespmem:s29], [sflag:$0x1] =	stream.indirect.gather [hbm4b:s1+s28], $0x80, s14, s28, $0xb8;
	[tilespmem:$0x1EB00] =	vst v63  }
0x6b: {  	_ =	swait.ge [sflag:s24], $0x4000  }
0x6c: {  	[sflag:s24] =	ssyncset.done $0x0  }
0x6d: {  	s15 =	sadd.s32 $0x15700, s11;
	[sflag:s24] =	ssyncadd.s32 $0xFFFFC000  }
0x6e: {  	[spmem:s3] =	stream.indirect.scatter.add.f32 [tilespmem:s30], [sflag:$0x4], $0x80, s15, s28, $0xb8;
	[tilespmem:$0x1EB00] =	vst v63  }
0x6f: {  	_ =	swait.ge [sflag:s22], $0x4000  }
0x70: {  	[sflag:s22] =	ssyncset.done $0x0  }
0x71: {  	[sflag:s22] =	ssyncadd.s32 $0xFFFFC000  }
0x72: {  	[spmem:s4] =	stream.indirect.scatter.add.f32 [tilespmem:s21], [sflag:$0x3], $0x1, s15, s28, $0xb8;
	[tilespmem:$0x1EB00] =	vst v63  }
0x73: {  	_ = 	snop  }
0x74: {  	[tilespmem:s30], [sflag:$0x2] =	stream.indirect.gather [hbm4b:s1+s28], $0x80, s31, s28, $0xb8;
	[tilespmem:$0x1EB00] =	vst v63  }
0x75: {  	_ =	swait.ge [sflag:s23], $0x4000  }
0x76: {  	[sflag:s23] =	ssyncset.done $0x0  }
0x77: {  	[sflag:s23] =	ssyncadd.s32 $0xFFFFC000  }
0x78: {  	[spmem:s3] =	stream.indirect.scatter.add.f32 [tilespmem:s29], [sflag:$0x4], $0x80, s0, s28, $0xb8;
	[tilespmem:$0x1EB00] =	vst v63  }
0x79: {  	_ =	swait.ge [sflag:s22], $0x4000  }
0x7a: {  	[sflag:s22] =	ssyncset.done $0x0  }
0x7b: {  	[sflag:s22] =	ssyncadd.s32 $0xFFFFC000  }
0x7c: {  	[spmem:s4] =	stream.indirect.scatter.add.f32 [tilespmem:s21], [sflag:$0x3], $0x1, s0, s28, $0xb8;
	[tilespmem:$0x1EB00] =	vst v63  }
0x7d: {  	_ =	swait.ge [sflag:s24], $0x4000  }
0x7e: {  	[sflag:s24] =	ssyncset.done $0x0  }
0x7f: {  	[sflag:s24] =	ssyncadd.s32 $0xFFFFC000  }
0x80: {  	[spmem:s3] =	stream.indirect.scatter.add.f32 [tilespmem:s30], [sflag:$0x4], $0x80, s5, s28, $0xb8;
	[tilespmem:$0x1EB00] =	vst v63  }
0x81: {  	_ =	swait.ge [sflag:s22], $0x4000  }
0x82: {  	[sflag:s22] =	ssyncset.done $0x0  }
0x83: {  	[sflag:s22] =	ssyncadd.s32 $0xFFFFC000  }
0x84: {  	[spmem:s4] =	stream.indirect.scatter.add.f32 [tilespmem:s21], [sflag:$0x3], $0x1, s5, s28, $0xb8;
	[tilespmem:$0x1EB00] =	vst v63  }
0x85: {  	_ =	swait.ge [sflag:s2], $0x80  }
0x86: {  	s11 =	simm.s32 $0x27;
	[sflag:s2] =	ssyncset.done $0x0  }
.LBB2_4:
0x87: {  	p0 =	sne.s32 s11, $0x1;
	s11 =	sadd.s32 $0xFFFFFFFF, s11;
	[sflag:s2] =	ssyncadd.s32 $0xFFFFFF80  }
.Ltmp1:
0x88: {  	(pc) =	sbr.rel @p0 .LBB2_4-.Ltmp1, $3  }
0x89: {  	_ =	sdelay $0x1  }
0x8a: {  	_ =	swait.ge [sflag:s2], $0x80  }
0x8b: {  	[sflag:s2] =	ssyncset.done $0x0  }
0x8c: {  	[sflag:s2] =	ssyncadd.s32 $0xFFFFFF80;
	s11 =	simm.s32 $0x0;
	s12 =	rddreg [dreg:$0xb]  }
0x8d: {  	[tilespmem:s25], [sflag:$0x4] =	stream.linear.gather [hbm4b:s12+s11], $0x1400, $0x38;
	[tilespmem:$0x1EB00] =	vst v63  }
0x8e: {  	_ =	swait.ge [sflag:s22], $0x1400  }
0x8f: {  	[sflag:s22] =	ssyncset.done $0x0  }
0x90: {  	s15 =	rddreg [dreg:$0xc];
	[sflag:s22] =	ssyncadd.s32 $0xFFFFEC00  }
0x91: {  	[tilespmem:s26], [sflag:$0x4] =	stream.linear.gather [hbm4b:s15+s11], $0x1400, $0x38;
	[tilespmem:$0x1EB00] =	vst v63  }
0x92: {  	_ =	swait.ge [sflag:s22], $0x1400  }
0x93: {  	[sflag:s22] =	ssyncset.done $0x0  }
0x94: {  	[sflag:s22] =	ssyncadd.s32 $0xFFFFEC00  }
0x95: {  	[tilespmem:s29], [sflag:$0x1] =	stream.indirect.gather [hbm4b:s1+s28], $0x80, s25, s28, $0xb8;
	[tilespmem:$0x1EB00] =	vst v63  }
0x96: {  	s13 =	simm.s32 $0x14300  }
0x97: {  	[tilespmem:s30], [sflag:$0x2] =	stream.indirect.gather [hbm4b:s1+s28], $0x80, s13, s28, $0xb8;
	[tilespmem:$0x1EB00] =	vst v63  }
0x98: {  	_ =	swait.ge [sflag:s23], $0x4000  }
0x99: {  	[sflag:s23] =	ssyncset.done $0x0  }
0x9a: {  	s14 =	simm.s32 $0x15680;
	[sflag:s23] =	ssyncadd.s32 $0xFFFFC000  }
0x9b: {  	[spmem:s3] =	stream.indirect.scatter.add.f32 [tilespmem:s29], [sflag:$0x4], $0x80, s14, s28, $0xb8;
	[tilespmem:$0x1EB00] =	vst v63  }
0x9c: {  	_ =	swait.ge [sflag:s22], $0x4000  }
0x9d: {  	[sflag:s22] =	ssyncset.done $0x0  }
0x9e: {  	[sflag:s22] =	ssyncadd.s32 $0xFFFFC000  }
0x9f: {  	[spmem:s4] =	stream.indirect.scatter.add.f32 [tilespmem:s21], [sflag:$0x3], $0x1, s14, s28, $0xb8;
	[tilespmem:$0x1EB00] =	vst v63  }
0xa0: {  	s15 =	simm.s32 $0x14380  }
0xa1: {  	[tilespmem:s29], [sflag:$0x1] =	stream.indirect.gather [hbm4b:s1+s28], $0x80, s15, s28, $0xb8;
	[tilespmem:$0x1EB00] =	vst v63  }
0xa2: {  	_ =	swait.ge [sflag:s24], $0x4000  }
0xa3: {  	[sflag:s24] =	ssyncset.done $0x0  }
0xa4: {  	s12 =	simm.s32 $0x15700;
	[sflag:s24] =	ssyncadd.s32 $0xFFFFC000  }
0xa5: {  	[spmem:s3] =	stream.indirect.scatter.add.f32 [tilespmem:s30], [sflag:$0x4], $0x80, s12, s28, $0xb8;
	[tilespmem:$0x1EB00] =	vst v63  }
0xa6: {  	_ =	swait.ge [sflag:s22], $0x4000  }
0xa7: {  	[sflag:s22] =	ssyncset.done $0x0  }
0xa8: {  	s11 =	simm.s32 $0x100;
	s13 =	simm.s32 $0x800;
	[sflag:s22] =	ssyncadd.s32 $0xFFFFC000  }
.LBB2_6:
0xa9: {  	[spmem:s4] =	stream.indirect.scatter.add.f32 [tilespmem:s21], [sflag:$0x3], $0x1, s12, s28, $0xb8;
	[tilespmem:$0x1EB00] =	vst v63  }
0xaa: {  	s12 =	smov.u32 s13  }
0xab: {  	s15 =	sadd.s32 $0x400, s13;
	s14 =	sshra.s32 s12, $0x2;
	s12 =	sadd.s32 $0x14300, s11  }
0xac: {  	[tilespmem:s30], [sflag:$0x2] =	stream.indirect.gather [hbm4b:s1+s28], $0x80, s12, s28, $0xb8;
	[tilespmem:$0x1EB00] =	vst v63  }
0xad: {  	p0 =	sne.s32 s13, $0x4800;
	_ =	swait.ge [sflag:s23], $0x4000  }
0xae: {  	[sflag:s23] =	ssyncset.done $0x0  }
0xaf: {  	s12 =	sadd.s32 $0x15680, s11;
	[sflag:s23] =	ssyncadd.s32 $0xFFFFC000  }
0xb0: {  	[spmem:s3] =	stream.indirect.scatter.add.f32 [tilespmem:s29], [sflag:$0x4], $0x80, s12, s28, $0xb8;
	[tilespmem:$0x1EB00] =	vst v63  }
0xb1: {  	_ =	swait.ge [sflag:s22], $0x4000  }
0xb2: {  	[sflag:s22] =	ssyncset.done $0x0  }
0xb3: {  	[sflag:s22] =	ssyncadd.s32 $0xFFFFC000  }
0xb4: {  	[spmem:s4] =	stream.indirect.scatter.add.f32 [tilespmem:s21], [sflag:$0x3], $0x1, s12, s28, $0xb8;
	[tilespmem:$0x1EB00] =	vst v63  }
0xb5: {  	s12 =	sadd.s32 $0x14380, s11  }
0xb6: {  	[tilespmem:s29], [sflag:$0x1] =	stream.indirect.gather [hbm4b:s1+s28], $0x80, s12, s28, $0xb8;
	[tilespmem:$0x1EB00] =	vst v63  }
0xb7: {  	_ =	swait.ge [sflag:s24], $0x4000  }
0xb8: {  	[sflag:s24] =	ssyncset.done $0x0  }
.Ltmp2:
0xb9: {  	s12 =	sadd.s32 $0x15700, s11;
	[sflag:s24] =	ssyncadd.s32 $0xFFFFC000;
	(pc) =	sbr.rel @p0 .LBB2_6-.Ltmp2, $4  }
0xba: {  	[spmem:s3] =	stream.indirect.scatter.add.f32 [tilespmem:s30], [sflag:$0x4], $0x80, s12, s28, $0xb8;
	[tilespmem:$0x1EB00] =	vst v63  }
0xbb: {  	s11 =	smov.u32 s14;
	_ =	swait.ge [sflag:s22], $0x4000  }
0xbc: {  	[sflag:s22] =	ssyncset.done $0x0  }
0xbd: {  	s13 =	smov.u32 s15;
	[sflag:s22] =	ssyncadd.s32 $0xFFFFC000  }
0xbe: {  	[spmem:s4] =	stream.indirect.scatter.add.f32 [tilespmem:s21], [sflag:$0x3], $0x1, s12, s28, $0xb8;
	[tilespmem:$0x1EB00] =	vst v63  }
0xbf: {  	s15 =	sadd.s32 $0x14300, s11  }
0xc0: {  	[tilespmem:s30], [sflag:$0x2] =	stream.indirect.gather [hbm4b:s1+s28], $0x80, s15, s28, $0xb8;
	[tilespmem:$0x1EB00] =	vst v63  }
0xc1: {  	_ =	swait.ge [sflag:s23], $0x4000  }
0xc2: {  	[sflag:s23] =	ssyncset.done $0x0  }
0xc3: {  	s13 =	sadd.s32 $0x15680, s11;
	[sflag:s23] =	ssyncadd.s32 $0xFFFFC000  }
0xc4: {  	[spmem:s3] =	stream.indirect.scatter.add.f32 [tilespmem:s29], [sflag:$0x4], $0x80, s13, s28, $0xb8;
	[tilespmem:$0x1EB00] =	vst v63  }
0xc5: {  	_ =	swait.ge [sflag:s22], $0x4000  }
0xc6: {  	[sflag:s22] =	ssyncset.done $0x0  }
0xc7: {  	[sflag:s22] =	ssyncadd.s32 $0xFFFFC000  }
0xc8: {  	[spmem:s4] =	stream.indirect.scatter.add.f32 [tilespmem:s21], [sflag:$0x3], $0x1, s13, s28, $0xb8;
	[tilespmem:$0x1EB00] =	vst v63  }
0xc9: {  	s14 =	sadd.s32 $0x14380, s11  }
0xca: {  	[tilespmem:s29], [sflag:$0x1] =	stream.indirect.gather [hbm4b:s1+s28], $0x80, s14, s28, $0xb8;
	[tilespmem:$0x1EB00] =	vst v63  }
0xcb: {  	_ =	swait.ge [sflag:s24], $0x4000  }
0xcc: {  	[sflag:s24] =	ssyncset.done $0x0  }
0xcd: {  	s15 =	sadd.s32 $0x15700, s11;
	[sflag:s24] =	ssyncadd.s32 $0xFFFFC000  }
0xce: {  	[spmem:s3] =	stream.indirect.scatter.add.f32 [tilespmem:s30], [sflag:$0x4], $0x80, s15, s28, $0xb8;
	[tilespmem:$0x1EB00] =	vst v63  }
0xcf: {  	_ =	swait.ge [sflag:s22], $0x4000  }
0xd0: {  	[sflag:s22] =	ssyncset.done $0x0  }
0xd1: {  	[sflag:s22] =	ssyncadd.s32 $0xFFFFC000  }
0xd2: {  	[spmem:s4] =	stream.indirect.scatter.add.f32 [tilespmem:s21], [sflag:$0x3], $0x1, s15, s28, $0xb8;
	[tilespmem:$0x1EB00] =	vst v63  }
0xd3: {  	_ = 	snop  }
0xd4: {  	[tilespmem:s30], [sflag:$0x2] =	stream.indirect.gather [hbm4b:s1+s28], $0x80, s31, s28, $0xb8;
	[tilespmem:$0x1EB00] =	vst v63  }
0xd5: {  	_ =	swait.ge [sflag:s23], $0x4000  }
0xd6: {  	[sflag:s23] =	ssyncset.done $0x0  }
0xd7: {  	[sflag:s23] =	ssyncadd.s32 $0xFFFFC000  }
0xd8: {  	[spmem:s3] =	stream.indirect.scatter.add.f32 [tilespmem:s29], [sflag:$0x4], $0x80, s0, s28, $0xb8;
	[tilespmem:$0x1EB00] =	vst v63  }
0xd9: {  	_ =	swait.ge [sflag:s22], $0x4000  }
0xda: {  	[sflag:s22] =	ssyncset.done $0x0  }
0xdb: {  	[sflag:s22] =	ssyncadd.s32 $0xFFFFC000  }
0xdc: {  	[spmem:s4] =	stream.indirect.scatter.add.f32 [tilespmem:s21], [sflag:$0x3], $0x1, s0, s28, $0xb8;
	[tilespmem:$0x1EB00] =	vst v63  }
0xdd: {  	_ =	swait.ge [sflag:s24], $0x4000  }
0xde: {  	[sflag:s24] =	ssyncset.done $0x0  }
0xdf: {  	[sflag:s24] =	ssyncadd.s32 $0xFFFFC000  }
0xe0: {  	[spmem:s3] =	stream.indirect.scatter.add.f32 [tilespmem:s30], [sflag:$0x4], $0x80, s5, s28, $0xb8;
	[tilespmem:$0x1EB00] =	vst v63  }
0xe1: {  	_ =	swait.ge [sflag:s22], $0x4000  }
0xe2: {  	[sflag:s22] =	ssyncset.done $0x0  }
0xe3: {  	[sflag:s22] =	ssyncadd.s32 $0xFFFFC000  }
0xe4: {  	[spmem:s4] =	stream.indirect.scatter.add.f32 [tilespmem:s21], [sflag:$0x3], $0x1, s5, s28, $0xb8;
	[tilespmem:$0x1EB00] =	vst v63  }
0xe5: {  	_ =	swait.ge [sflag:s2], $0x80  }
0xe6: {  	s11 =	simm.s32 $0x27;
	[sflag:s2] =	ssyncset.done $0x0  }
.LBB2_8:
0xe7: {  	p0 =	sne.s32 s11, $0x1;
	s11 =	sadd.s32 $0xFFFFFFFF, s11;
	[sflag:s2] =	ssyncadd.s32 $0xFFFFFF80  }
.Ltmp3:
0xe8: {  	(pc) =	sbr.rel @p0 .LBB2_8-.Ltmp3, $3  }
0xe9: {  	_ =	sdelay $0x1  }
0xea: {  	_ =	swait.ge [sflag:s2], $0x80  }
0xeb: {  	[sflag:s2] =	ssyncset.done $0x0  }
0xec: {  	[sflag:s2] =	ssyncadd.s32 $0xFFFFFF80  }
0xed: {  	s11 =	sor.u32 $0x1C04, s9;
	s7 =	sadd.s32 $0x1, s7;
	[bflag:$0x0] =	sbarrier.arrive $0xFFFF  }
0xee: {  	[hbm:s16], [sflag:s10] =	dma.local [spmem:s19], $0x2800  }
0xef: {  	[hbm:s18], [sflag:s11] =	dma.local [spmem:s8], $0x50  }
0xf0: {  	p0 =	sne.s32 s7, s17;
	_ =	swait.ge [sflag:s22], $0x50  }
.Ltmp4:
0xf1: {  	[sflag:s22] =	ssyncset.done $0x0;
	(pc) =	sbr.rel @p0 .LBB2_1-.Ltmp4, $4  }
0xf2: {  	[sflag:s22] =	ssyncadd.s32 $0xFFFFFFB0  }
0xf3: {  	_ =	swait.ge [sflag:s23], $0x2800  }
0xf4: {  	[sflag:s23] =	ssyncset.done $0x0  }
0xf5: {  	[sflag:s23] =	ssyncadd.s32 $0xFFFFD800  }
0xf6: {  	_ =	sfence.sel $0x180000  }
0xf7: {  	[bflag:$0x0] =	sbarrier.arrive $0xFFFF  }
0xf8: {  	_ =	strace $0x90000047  }
0xf9: {  	s0 =	stileid.u32;
	[bflag:$0x2] =	sbarrier.arrive $0xFFFF  }
0xfa: {  	p0 =	sne.s32 s0, $0x0;
	s0 =	rddreg [dreg:$0x5]  }
0xfb: {  	s0 =	sadd.s32 @!p0 $0x100000, s0  }
0xfc: {  	[sflag:s0] =	ssyncadd.tile.s32 @!p0 $0x1;
	_ =	shalt  }
.Lfunc_end2:
_tile_overlayer_lowered:
.L_overlay_start_2:
0xfd: {  	(tag) =	ssettag $0x2  }
0xfe: {  	s0 =	rddreg [dreg:$0x0];
	s2 =	stileid.u32  }
0xff: {  	s1 =	rddreg [dreg:$0x1];
	p0 =	sne.s32 s2, $0x0  }
0x100: {  	s3 =	rddreg [dreg:$0x2];
	[bflag:$0x3] =	sbarrier.arrive $0xFFFF;
	s2 =	simm.s32 @!p0 $0x1C04  }
0x101: {  	[timem:s3], [sflag:s2] =	dma.local @!p0 [hbm:s0], s1  }
0x102: {  	s0 =	simm.s32 @!p0 $0x4  }
0x103: {  	_ =	swait.ge @!p0 [sflag:s0], s1  }
0x104: {  	s1 =	ssub.s32 @!p0 $0x0, s1;
	[sflag:s0] =	ssyncset.done @!p0 $0x0  }
0x105: {  	[sflag:s0] =	ssyncadd.s32 @!p0 s1  }
0x106: {  	[bflag:$0x3] =	sbarrier.arrive $0xFFFF  }
0x107: {  	_ =	shalt  }

</sc_bundles>
